<compile_context>
chip_gen: v7x
topology: tpu7x:2x2x1
jax: 0.10.2.dev20260603
libtpu: 0.0.44.dev20260713+nightly
codegen_flags: <defaults>
</compile_context>

<pallas_src>
import functools

import jax
import jax.numpy as jnp
from jax import lax
from jax.experimental import pallas as pl
from jax.experimental.pallas import tpu as pltpu
from jax.experimental.pallas import tpu_sc as plsc

B = 8
N = 2048
NTASK = 32
ROWS = 1024
RG = 4
L = 16
JV = N // L
QV = (ROWS + L) // L


def _bf16_rne(v):
    c = v * jnp.float32(65537.0)
    return c - (c - v)


def _cd_body(xc, yc, zc, out_hbm,
             qx, qy, qz, qxb, qyb, qzb, rxb, ryb, rzb, rn, outv):
    cid = lax.axis_index("c")
    sid = lax.axis_index("s")
    wid = sid * 2 + cid
    b = wid // 4
    rem = wid % 4
    dirv = rem // 2
    half = rem % 2

    q_off = (1 - dirv) * (B * N) + b * N + half * ROWS
    r_off = dirv * (B * N) + b * N

    pltpu.sync_copy(xc.at[pl.ds(q_off, ROWS)], qx.at[pl.ds(0, ROWS)])
    pltpu.sync_copy(yc.at[pl.ds(q_off, ROWS)], qy.at[pl.ds(0, ROWS)])
    pltpu.sync_copy(zc.at[pl.ds(q_off, ROWS)], qz.at[pl.ds(0, ROWS)])
    pltpu.sync_copy(xc.at[pl.ds(r_off, N)], rxb)
    pltpu.sync_copy(yc.at[pl.ds(r_off, N)], ryb)
    pltpu.sync_copy(zc.at[pl.ds(r_off, N)], rzb)

    def norm_body(jv, _):
        s = pl.ds(jv * L, L)
        xv = rxb[s]
        yv = ryb[s]
        zv = rzb[s]
        rn[s] = xv * xv + yv * yv + zv * zv
        rxb[s] = _bf16_rne(xv)
        ryb[s] = _bf16_rne(yv)
        rzb[s] = _bf16_rne(zv)
        return 0

    lax.fori_loop(0, JV, norm_body, 0)

    def qround_body(jv, _):
        s = pl.ds(jv * L, L)
        qxb[s] = _bf16_rne(qx[s])
        qyb[s] = _bf16_rne(qy[s])
        qzb[s] = _bf16_rne(qz[s])
        return 0

    lax.fori_loop(0, ROWS // L, qround_body, 0)

    big = jnp.float32(1e30)
    lanes = lax.iota(jnp.int32, L)

    def lane_min(v):
        for sh in (8, 4, 2, 1):
            v = jnp.minimum(v, v.at[lanes ^ sh].get(
                mode="promise_in_bounds", unique_indices=True))
        return v[0]

    def row_group(g, total):
        i0 = g * RG
        gx = qx[pl.ds(i0, L)]
        gy = qy[pl.ds(i0, L)]
        gz = qz[pl.ds(i0, L)]
        gxb = qxb[pl.ds(i0, L)]
        gyb = qyb[pl.ds(i0, L)]
        gzb = qzb[pl.ds(i0, L)]
        qs = []
        for r in range(RG):
            x = gx[r]
            y = gy[r]
            z = gz[r]
            c = x * x + y * y + z * z
            qs.append((c, -2.0 * gxb[r], -2.0 * gyb[r], -2.0 * gzb[r]))

        def jv_body(jv, mins):
            s = pl.ds(jv * L, L)
            nv = rn[s]
            xv = rxb[s]
            yv = ryb[s]
            zv = rzb[s]
            out = []
            for r in range(RG):
                c, sx, sy, sz = qs[r]
                t = nv + c
                t = t + xv * sx
                t = t + yv * sy
                t = t + zv * sz
                out.append(jnp.minimum(mins[r], t))
            return tuple(out)

        mins = lax.fori_loop(0, JV, jv_body,
                             tuple(jnp.full((L,), big, jnp.float32)
                                   for _ in range(RG)))
        for r in range(RG):
            total = total + jnp.maximum(lane_min(mins[r]), 0.0)
        return total

    total = lax.fori_loop(0, ROWS // RG, row_group, jnp.float32(0.0))
    outv[...] = jnp.full((L,), total * (1.0 / L), jnp.float32)
    pltpu.sync_copy(outv, out_hbm.at[wid])


def kernel(array1, array2):
    c1 = jnp.transpose(array1, (2, 0, 1)).reshape(3, B * N)
    c2 = jnp.transpose(array2, (2, 0, 1)).reshape(3, B * N)
    cat = jnp.concatenate([c1, c2], axis=1)

    mesh = plsc.VectorSubcoreMesh(core_axis_name="c", subcore_axis_name="s")
    run = functools.partial(
        pl.kernel,
        out_type=jax.ShapeDtypeStruct((NTASK, L), jnp.float32),
        mesh=mesh,
        scratch_types=[
            pltpu.VMEM((ROWS + L,), jnp.float32),
            pltpu.VMEM((ROWS + L,), jnp.float32),
            pltpu.VMEM((ROWS + L,), jnp.float32),
            pltpu.VMEM((ROWS + L,), jnp.float32),
            pltpu.VMEM((ROWS + L,), jnp.float32),
            pltpu.VMEM((ROWS + L,), jnp.float32),
            pltpu.VMEM((N,), jnp.float32),
            pltpu.VMEM((N,), jnp.float32),
            pltpu.VMEM((N,), jnp.float32),
            pltpu.VMEM((N,), jnp.float32),
            pltpu.VMEM((L,), jnp.float32),
        ],
    )(_cd_body)
    partials = run(cat[0], cat[1], cat[2])
    return jnp.sum(partials) / jnp.float32(B * N)

# --- scband reference (transcript-rebuilt; emitter-appended) ---
"""Pipeline reference for scband-cd-module-27401891348709 (READ-ONLY COPY).

The authoritative reference and input builder live on the scoring server;
editing this copy changes nothing except your own understanding.
"""

import jax, jax.numpy as jnp
import numpy as np


def _pairwise_sqdist(a, b):
    # a: [B, M, 3], b: [B, N, 3] -> [B, M, N] squared euclidean distances
    a2 = jnp.sum(a * a, axis=-1)  # [B, M]
    b2 = jnp.sum(b * b, axis=-1)  # [B, N]
    ab = jnp.einsum('bmd,bnd->bmn', a, b)  # [B, M, N]
    d = a2[:, :, None] + b2[:, None, :] - 2.0 * ab
    return jnp.maximum(d, 0.0)


def setup_inputs(seed: int = 0) -> dict:
    key = jax.random.key(seed)
    k1, k2 = jax.random.split(key)
    array1 = jax.random.normal(k1, (8, 2048, 3), dtype=jnp.float32)
    array2 = jax.random.normal(k2, (8, 2048, 3), dtype=jnp.float32)
    return {"array1": array1, "array2": array2}


def reference(array1, array2):
    # chamfer_distance(output=array1, gt=array2); cham_loss(gt, output)
    # dist1: for each gt point (array2), squared dist to nearest point in output (array1)
    # dist2: for each output point (array1), squared dist to nearest point in gt (array2)
    d = _pairwise_sqdist(array2, array1)  # [B, M_gt, N_out]
    dist1 = jnp.min(d, axis=2)  # [B, M_gt]
    dist2 = jnp.min(d, axis=1)  # [B, N_out]
    cd_t = jnp.mean(dist1, axis=1) + jnp.mean(dist2, axis=1)  # [B]
    return jnp.mean(cd_t)

if __name__ == "__main__":
    import jax
    _d = setup_inputs()
    print(jax.jit(kernel)(*tuple(_d.values())))

</pallas_src>

<mosaic_0001>
#map = affine_map<(d0, d1) -> (0)>
#map1 = affine_map<(d0, d1) -> (0, 0)>
module attributes {stable_mosaic.version = 14 : i64} {
  func.func @_cd_body(%arg0: i32, %arg1: i32, %arg2: memref<32768xf32, #tpu.memory_space<hbm>>, %arg3: memref<32768xf32, #tpu.memory_space<hbm>>, %arg4: memref<32768xf32, #tpu.memory_space<hbm>>, %arg5: memref<32x16xf32, #tpu.memory_space<hbm>>, %arg6: memref<1040xf32, #tpu.memory_space<vmem>>, %arg7: memref<1040xf32, #tpu.memory_space<vmem>>, %arg8: memref<1040xf32, #tpu.memory_space<vmem>>, %arg9: memref<1040xf32, #tpu.memory_space<vmem>>, %arg10: memref<1040xf32, #tpu.memory_space<vmem>>, %arg11: memref<1040xf32, #tpu.memory_space<vmem>>, %arg12: memref<2048xf32, #tpu.memory_space<vmem>>, %arg13: memref<2048xf32, #tpu.memory_space<vmem>>, %arg14: memref<2048xf32, #tpu.memory_space<vmem>>, %arg15: memref<2048xf32, #tpu.memory_space<vmem>>, %arg16: memref<16xf32, #tpu.memory_space<vmem>>) attributes {dimension_semantics = [#tpu.dimension_semantics<core_parallel>, #tpu.dimension_semantics<subcore_parallel>], iteration_bounds = array<i64: 2, 16>, scalar_prefetch = 0 : i64, scratch_operands = 11 : i64, tpu.core_type = #tpu.core_type<sc_vector_subcore>, window_params = [{transform_indices = #map}, {transform_indices = #map}, {transform_indices = #map}, {transform_indices = #map1}]} {
    %mul3A = arith.constant 2 : i32
    %mul3A_0 = arith.muli %arg1, %mul3A : i32
    %add3A = arith.addi %mul3A_0, %arg0 : i32
    %jit3A = arith.constant 4 : i32
    %div3A = arith.divsi %add3A, %jit3A : i32
    %sign3A = arith.constant 0 : i32
    %sign3A_1 = arith.cmpi sgt, %add3A, %sign3A : i32
    %sign3A_2 = arith.extui %sign3A_1 : i1 to i32
    %sign3A_3 = arith.constant 0 : i32
    %sign3A_4 = arith.cmpi slt, %add3A, %sign3A_3 : i32
    %sign3A_5 = arith.extui %sign3A_4 : i1 to i32
    %sign3A_6 = arith.subi %sign3A_2, %sign3A_5 : i32
    %sign3A_7 = arith.constant 0 : i32
    %sign3A_8 = arith.cmpi sgt, %jit3A, %sign3A_7 : i32
    %sign3A_9 = arith.extui %sign3A_8 : i1 to i32
    %sign3A_10 = arith.constant 0 : i32
    %sign3A_11 = arith.cmpi slt, %jit3A, %sign3A_10 : i32
    %sign3A_12 = arith.extui %sign3A_11 : i1 to i32
    %sign3A_13 = arith.subi %sign3A_9, %sign3A_12 : i32
    %ne3A = arith.cmpi ne, %sign3A_6, %sign3A_13 : i32
    %rem3A = arith.remsi %add3A, %jit3A : i32
    %ne3A_14 = arith.constant 0 : i32
    %ne3A_15 = arith.cmpi ne, %rem3A, %ne3A_14 : i32
    %and3A = arith.andi %ne3A, %ne3A_15 : i1
    %sub3A = arith.constant 1 : i32
    %sub3A_16 = arith.subi %div3A, %sub3A : i32
    %select_n3A = arith.select %and3A, %sub3A_16, %div3A : i32
    %jit3A_17 = arith.constant 4 : i32
    %eq3A = arith.constant 0 : i32
    %eq3A_18 = arith.cmpi eq, %jit3A_17, %eq3A : i32
    %jit3A_19 = arith.constant 1 : i32
    %select_n3A_20 = arith.select %eq3A_18, %jit3A_19, %jit3A_17 : i32
    %rem3A_21 = arith.remsi %add3A, %select_n3A_20 : i32
    %ne3A_22 = arith.constant 0 : i32
    %ne3A_23 = arith.cmpi ne, %rem3A_21, %ne3A_22 : i32
    %lt3A = arith.constant 0 : i32
    %lt3A_24 = arith.cmpi slt, %rem3A_21, %lt3A : i32
    %lt3A_25 = arith.constant 0 : i32
    %lt3A_26 = arith.cmpi slt, %select_n3A_20, %lt3A_25 : i32
    %ne3A_27 = arith.xori %lt3A_24, %lt3A_26 : i1
    %and3A_28 = arith.andi %ne3A_27, %ne3A_23 : i1
    %add3A_29 = arith.addi %rem3A_21, %select_n3A_20 : i32
    %select_n3A_30 = arith.select %and3A_28, %add3A_29, %rem3A_21 : i32
    %jit3A_31 = arith.constant 2 : i32
    %div3A_32 = arith.divsi %select_n3A_30, %jit3A_31 : i32
    %sign3A_33 = arith.constant 0 : i32
    %sign3A_34 = arith.cmpi sgt, %select_n3A_30, %sign3A_33 : i32
    %sign3A_35 = arith.extui %sign3A_34 : i1 to i32
    %sign3A_36 = arith.constant 0 : i32
    %sign3A_37 = arith.cmpi slt, %select_n3A_30, %sign3A_36 : i32
    %sign3A_38 = arith.extui %sign3A_37 : i1 to i32
    %sign3A_39 = arith.subi %sign3A_35, %sign3A_38 : i32
    %sign3A_40 = arith.constant 0 : i32
    %sign3A_41 = arith.cmpi sgt, %jit3A_31, %sign3A_40 : i32
    %sign3A_42 = arith.extui %sign3A_41 : i1 to i32
    %sign3A_43 = arith.constant 0 : i32
    %sign3A_44 = arith.cmpi slt, %jit3A_31, %sign3A_43 : i32
    %sign3A_45 = arith.extui %sign3A_44 : i1 to i32
    %sign3A_46 = arith.subi %sign3A_42, %sign3A_45 : i32
    %ne3A_47 = arith.cmpi ne, %sign3A_39, %sign3A_46 : i32
    %rem3A_48 = arith.remsi %select_n3A_30, %jit3A_31 : i32
    %ne3A_49 = arith.constant 0 : i32
    %ne3A_50 = arith.cmpi ne, %rem3A_48, %ne3A_49 : i32
    %and3A_51 = arith.andi %ne3A_47, %ne3A_50 : i1
    %sub3A_52 = arith.constant 1 : i32
    %sub3A_53 = arith.subi %div3A_32, %sub3A_52 : i32
    %select_n3A_54 = arith.select %and3A_51, %sub3A_53, %div3A_32 : i32
    %jit3A_55 = arith.constant 2 : i32
    %eq3A_56 = arith.constant 0 : i32
    %eq3A_57 = arith.cmpi eq, %jit3A_55, %eq3A_56 : i32
    %jit3A_58 = arith.constant 1 : i32
    %select_n3A_59 = arith.select %eq3A_57, %jit3A_58, %jit3A_55 : i32
    %rem3A_60 = arith.remsi %select_n3A_30, %select_n3A_59 : i32
    %ne3A_61 = arith.constant 0 : i32
    %ne3A_62 = arith.cmpi ne, %rem3A_60, %ne3A_61 : i32
    %lt3A_63 = arith.constant 0 : i32
    %lt3A_64 = arith.cmpi slt, %rem3A_60, %lt3A_63 : i32
    %lt3A_65 = arith.constant 0 : i32
    %lt3A_66 = arith.cmpi slt, %select_n3A_59, %lt3A_65 : i32
    %ne3A_67 = arith.xori %lt3A_64, %lt3A_66 : i1
    %and3A_68 = arith.andi %ne3A_67, %ne3A_62 : i1
    %add3A_69 = arith.addi %rem3A_60, %select_n3A_59 : i32
    %select_n3A_70 = arith.select %and3A_68, %add3A_69, %rem3A_60 : i32
    %sub3A_71 = arith.constant 1 : i32
    %sub3A_72 = arith.subi %sub3A_71, %select_n3A_54 : i32
    %mul3A_73 = arith.constant 16384 : i32
    %mul3A_74 = arith.muli %sub3A_72, %mul3A_73 : i32
    %mul3A_75 = arith.constant 2048 : i32
    %mul3A_76 = arith.muli %select_n3A, %mul3A_75 : i32
    %add3A_77 = arith.addi %mul3A_74, %mul3A_76 : i32
    %mul3A_78 = arith.constant 1024 : i32
    %mul3A_79 = arith.muli %select_n3A_70, %mul3A_78 : i32
    %add3A_80 = arith.addi %add3A_77, %mul3A_79 : i32
    %mul3A_81 = arith.constant 16384 : i32
    %mul3A_82 = arith.muli %select_n3A_54, %mul3A_81 : i32
    %mul3A_83 = arith.constant 2048 : i32
    %mul3A_84 = arith.muli %select_n3A, %mul3A_83 : i32
    %add3A_85 = arith.addi %mul3A_82, %mul3A_84 : i32
    "tpu.region"() ({
      %run_scoped3A = tpu.sem_alloc : memref<!tpu.dma_semaphore, #tpu.memory_space<semaphore_mem>>
      %dma_start3A = arith.constant 0 : i32
      %dma_start3A_112 = tpu.memref_slice %arg6[%dma_start3A] : memref<1040xf32, #tpu.memory_space<vmem>> -> memref<1024xf32, #tpu.memory_space<vmem>>
      %dma_start3A_113 = tpu.memref_slice %arg2[%add3A_80] : memref<32768xf32, #tpu.memory_space<hbm>> -> memref<1024xf32, #tpu.memory_space<hbm>>
      %dma_start3A_114 = arith.constant 0 : i32
      %dma_start3A_115 = tpu.memref_slice %arg6[%dma_start3A_114] : memref<1040xf32, #tpu.memory_space<vmem>> -> memref<1024xf32, #tpu.memory_space<vmem>>
      %dma_start3A_116 = tpu.memref_slice %arg2[%add3A_80] : memref<32768xf32, #tpu.memory_space<hbm>> -> memref<1024xf32, #tpu.memory_space<hbm>>
      tpu.enqueue_dma source(%dma_start3A_116 : memref<1024xf32, #tpu.memory_space<hbm>>) target(%dma_start3A_115 : memref<1024xf32, #tpu.memory_space<vmem>>) target_semaphore(%run_scoped3A : memref<!tpu.dma_semaphore, #tpu.memory_space<semaphore_mem>>)
      %dma_wait3A = arith.constant 0 : i32
      %dma_wait3A_117 = tpu.memref_slice %arg6[%dma_wait3A] : memref<1040xf32, #tpu.memory_space<vmem>> -> memref<1024xf32, #tpu.memory_space<vmem>>
      %dma_wait3A_118 = tpu.memref_slice %arg2[%add3A_80] : memref<32768xf32, #tpu.memory_space<hbm>> -> memref<1024xf32, #tpu.memory_space<hbm>>
      %dma_wait3A_119 = arith.constant 0 : i32
      %dma_wait3A_120 = tpu.memref_slice %arg6[%dma_wait3A_119] : memref<1040xf32, #tpu.memory_space<vmem>> -> memref<1024xf32, #tpu.memory_space<vmem>>
      %dma_wait3A_121 = tpu.memref_slice %arg2[%add3A_80] : memref<32768xf32, #tpu.memory_space<hbm>> -> memref<1024xf32, #tpu.memory_space<hbm>>
      tpu.wait_dma2 semaphore(%run_scoped3A : memref<!tpu.dma_semaphore, #tpu.memory_space<semaphore_mem>>) src(%dma_wait3A_121 : memref<1024xf32, #tpu.memory_space<hbm>>) dst(%dma_wait3A_120 : memref<1024xf32, #tpu.memory_space<vmem>>)
      tpu.yield
    }) : () -> ()
    "tpu.region"() ({
      %run_scoped3A = tpu.sem_alloc : memref<!tpu.dma_semaphore, #tpu.memory_space<semaphore_mem>>
      %dma_start3A = arith.constant 0 : i32
      %dma_start3A_112 = tpu.memref_slice %arg7[%dma_start3A] : memref<1040xf32, #tpu.memory_space<vmem>> -> memref<1024xf32, #tpu.memory_space<vmem>>
      %dma_start3A_113 = tpu.memref_slice %arg3[%add3A_80] : memref<32768xf32, #tpu.memory_space<hbm>> -> memref<1024xf32, #tpu.memory_space<hbm>>
      %dma_start3A_114 = arith.constant 0 : i32
      %dma_start3A_115 = tpu.memref_slice %arg7[%dma_start3A_114] : memref<1040xf32, #tpu.memory_space<vmem>> -> memref<1024xf32, #tpu.memory_space<vmem>>
      %dma_start3A_116 = tpu.memref_slice %arg3[%add3A_80] : memref<32768xf32, #tpu.memory_space<hbm>> -> memref<1024xf32, #tpu.memory_space<hbm>>
      tpu.enqueue_dma source(%dma_start3A_116 : memref<1024xf32, #tpu.memory_space<hbm>>) target(%dma_start3A_115 : memref<1024xf32, #tpu.memory_space<vmem>>) target_semaphore(%run_scoped3A : memref<!tpu.dma_semaphore, #tpu.memory_space<semaphore_mem>>)
      %dma_wait3A = arith.constant 0 : i32
      %dma_wait3A_117 = tpu.memref_slice %arg7[%dma_wait3A] : memref<1040xf32, #tpu.memory_space<vmem>> -> memref<1024xf32, #tpu.memory_space<vmem>>
      %dma_wait3A_118 = tpu.memref_slice %arg3[%add3A_80] : memref<32768xf32, #tpu.memory_space<hbm>> -> memref<1024xf32, #tpu.memory_space<hbm>>
      %dma_wait3A_119 = arith.constant 0 : i32
      %dma_wait3A_120 = tpu.memref_slice %arg7[%dma_wait3A_119] : memref<1040xf32, #tpu.memory_space<vmem>> -> memref<1024xf32, #tpu.memory_space<vmem>>
      %dma_wait3A_121 = tpu.memref_slice %arg3[%add3A_80] : memref<32768xf32, #tpu.memory_space<hbm>> -> memref<1024xf32, #tpu.memory_space<hbm>>
      tpu.wait_dma2 semaphore(%run_scoped3A : memref<!tpu.dma_semaphore, #tpu.memory_space<semaphore_mem>>) src(%dma_wait3A_121 : memref<1024xf32, #tpu.memory_space<hbm>>) dst(%dma_wait3A_120 : memref<1024xf32, #tpu.memory_space<vmem>>)
      tpu.yield
    }) : () -> ()
    "tpu.region"() ({
      %run_scoped3A = tpu.sem_alloc : memref<!tpu.dma_semaphore, #tpu.memory_space<semaphore_mem>>
      %dma_start3A = arith.constant 0 : i32
      %dma_start3A_112 = tpu.memref_slice %arg8[%dma_start3A] : memref<1040xf32, #tpu.memory_space<vmem>> -> memref<1024xf32, #tpu.memory_space<vmem>>
      %dma_start3A_113 = tpu.memref_slice %arg4[%add3A_80] : memref<32768xf32, #tpu.memory_space<hbm>> -> memref<1024xf32, #tpu.memory_space<hbm>>
      %dma_start3A_114 = arith.constant 0 : i32
      %dma_start3A_115 = tpu.memref_slice %arg8[%dma_start3A_114] : memref<1040xf32, #tpu.memory_space<vmem>> -> memref<1024xf32, #tpu.memory_space<vmem>>
      %dma_start3A_116 = tpu.memref_slice %arg4[%add3A_80] : memref<32768xf32, #tpu.memory_space<hbm>> -> memref<1024xf32, #tpu.memory_space<hbm>>
      tpu.enqueue_dma source(%dma_start3A_116 : memref<1024xf32, #tpu.memory_space<hbm>>) target(%dma_start3A_115 : memref<1024xf32, #tpu.memory_space<vmem>>) target_semaphore(%run_scoped3A : memref<!tpu.dma_semaphore, #tpu.memory_space<semaphore_mem>>)
      %dma_wait3A = arith.constant 0 : i32
      %dma_wait3A_117 = tpu.memref_slice %arg8[%dma_wait3A] : memref<1040xf32, #tpu.memory_space<vmem>> -> memref<1024xf32, #tpu.memory_space<vmem>>
      %dma_wait3A_118 = tpu.memref_slice %arg4[%add3A_80] : memref<32768xf32, #tpu.memory_space<hbm>> -> memref<1024xf32, #tpu.memory_space<hbm>>
      %dma_wait3A_119 = arith.constant 0 : i32
      %dma_wait3A_120 = tpu.memref_slice %arg8[%dma_wait3A_119] : memref<1040xf32, #tpu.memory_space<vmem>> -> memref<1024xf32, #tpu.memory_space<vmem>>
      %dma_wait3A_121 = tpu.memref_slice %arg4[%add3A_80] : memref<32768xf32, #tpu.memory_space<hbm>> -> memref<1024xf32, #tpu.memory_space<hbm>>
      tpu.wait_dma2 semaphore(%run_scoped3A : memref<!tpu.dma_semaphore, #tpu.memory_space<semaphore_mem>>) src(%dma_wait3A_121 : memref<1024xf32, #tpu.memory_space<hbm>>) dst(%dma_wait3A_120 : memref<1024xf32, #tpu.memory_space<vmem>>)
      tpu.yield
    }) : () -> ()
    "tpu.region"() ({
      %run_scoped3A = tpu.sem_alloc : memref<!tpu.dma_semaphore, #tpu.memory_space<semaphore_mem>>
      %dma_start3A = tpu.memref_slice %arg2[%add3A_85] : memref<32768xf32, #tpu.memory_space<hbm>> -> memref<2048xf32, #tpu.memory_space<hbm>>
      %dma_start3A_112 = tpu.memref_slice %arg2[%add3A_85] : memref<32768xf32, #tpu.memory_space<hbm>> -> memref<2048xf32, #tpu.memory_space<hbm>>
      tpu.enqueue_dma source(%dma_start3A_112 : memref<2048xf32, #tpu.memory_space<hbm>>) target(%arg12 : memref<2048xf32, #tpu.memory_space<vmem>>) target_semaphore(%run_scoped3A : memref<!tpu.dma_semaphore, #tpu.memory_space<semaphore_mem>>)
      %dma_wait3A = tpu.memref_slice %arg2[%add3A_85] : memref<32768xf32, #tpu.memory_space<hbm>> -> memref<2048xf32, #tpu.memory_space<hbm>>
      %dma_wait3A_113 = tpu.memref_slice %arg2[%add3A_85] : memref<32768xf32, #tpu.memory_space<hbm>> -> memref<2048xf32, #tpu.memory_space<hbm>>
      tpu.wait_dma2 semaphore(%run_scoped3A : memref<!tpu.dma_semaphore, #tpu.memory_space<semaphore_mem>>) src(%dma_wait3A_113 : memref<2048xf32, #tpu.memory_space<hbm>>) dst(%arg12 : memref<2048xf32, #tpu.memory_space<vmem>>)
      tpu.yield
    }) : () -> ()
    "tpu.region"() ({
      %run_scoped3A = tpu.sem_alloc : memref<!tpu.dma_semaphore, #tpu.memory_space<semaphore_mem>>
      %dma_start3A = tpu.memref_slice %arg3[%add3A_85] : memref<32768xf32, #tpu.memory_space<hbm>> -> memref<2048xf32, #tpu.memory_space<hbm>>
      %dma_start3A_112 = tpu.memref_slice %arg3[%add3A_85] : memref<32768xf32, #tpu.memory_space<hbm>> -> memref<2048xf32, #tpu.memory_space<hbm>>
      tpu.enqueue_dma source(%dma_start3A_112 : memref<2048xf32, #tpu.memory_space<hbm>>) target(%arg13 : memref<2048xf32, #tpu.memory_space<vmem>>) target_semaphore(%run_scoped3A : memref<!tpu.dma_semaphore, #tpu.memory_space<semaphore_mem>>)
      %dma_wait3A = tpu.memref_slice %arg3[%add3A_85] : memref<32768xf32, #tpu.memory_space<hbm>> -> memref<2048xf32, #tpu.memory_space<hbm>>
      %dma_wait3A_113 = tpu.memref_slice %arg3[%add3A_85] : memref<32768xf32, #tpu.memory_space<hbm>> -> memref<2048xf32, #tpu.memory_space<hbm>>
      tpu.wait_dma2 semaphore(%run_scoped3A : memref<!tpu.dma_semaphore, #tpu.memory_space<semaphore_mem>>) src(%dma_wait3A_113 : memref<2048xf32, #tpu.memory_space<hbm>>) dst(%arg13 : memref<2048xf32, #tpu.memory_space<vmem>>)
      tpu.yield
    }) : () -> ()
    "tpu.region"() ({
      %run_scoped3A = tpu.sem_alloc : memref<!tpu.dma_semaphore, #tpu.memory_space<semaphore_mem>>
      %dma_start3A = tpu.memref_slice %arg4[%add3A_85] : memref<32768xf32, #tpu.memory_space<hbm>> -> memref<2048xf32, #tpu.memory_space<hbm>>
      %dma_start3A_112 = tpu.memref_slice %arg4[%add3A_85] : memref<32768xf32, #tpu.memory_space<hbm>> -> memref<2048xf32, #tpu.memory_space<hbm>>
      tpu.enqueue_dma source(%dma_start3A_112 : memref<2048xf32, #tpu.memory_space<hbm>>) target(%arg14 : memref<2048xf32, #tpu.memory_space<vmem>>) target_semaphore(%run_scoped3A : memref<!tpu.dma_semaphore, #tpu.memory_space<semaphore_mem>>)
      %dma_wait3A = tpu.memref_slice %arg4[%add3A_85] : memref<32768xf32, #tpu.memory_space<hbm>> -> memref<2048xf32, #tpu.memory_space<hbm>>
      %dma_wait3A_113 = tpu.memref_slice %arg4[%add3A_85] : memref<32768xf32, #tpu.memory_space<hbm>> -> memref<2048xf32, #tpu.memory_space<hbm>>
      tpu.wait_dma2 semaphore(%run_scoped3A : memref<!tpu.dma_semaphore, #tpu.memory_space<semaphore_mem>>) src(%dma_wait3A_113 : memref<2048xf32, #tpu.memory_space<hbm>>) dst(%arg14 : memref<2048xf32, #tpu.memory_space<vmem>>)
      tpu.yield
    }) : () -> ()
    %scan3A = arith.constant 0 : i32
    %scan3A_86 = arith.constant 0 : i32
    %scan3A_87 = arith.constant 128 : i32
    %scan3A_88 = arith.addi %scan3A_86, %scan3A_87 : i32
    %scan3A_89 = arith.constant 1 : i32
    %scan3A_90 = scf.for %scan3A_112 = %scan3A_86 to %scan3A_88 step %scan3A_89 iter_args(%scan3A_113 = %scan3A) -> (i32)  : i32 {
      %mul3A_114 = arith.constant 16 : i32
      %mul3A_115 = arith.muli %scan3A_112, %mul3A_114 : i32
      %get3A = arith.index_cast %mul3A_115 : i32 to index
      %get3A_116 = tpu.vector_load %arg12[%get3A] {strides = array<i32>} : memref<2048xf32, #tpu.memory_space<vmem>>, vector<16xf32>,
      %get3A_117 = vector.shape_cast %get3A_116 : vector<16xf32> to vector<16xf32>
      %get3A_118 = arith.index_cast %mul3A_115 : i32 to index
      %get3A_119 = tpu.vector_load %arg13[%get3A_118] {strides = array<i32>} : memref<2048xf32, #tpu.memory_space<vmem>>, vector<16xf32>,
      %get3A_120 = vector.shape_cast %get3A_119 : vector<16xf32> to vector<16xf32>
      %get3A_121 = arith.index_cast %mul3A_115 : i32 to index
      %get3A_122 = tpu.vector_load %arg14[%get3A_121] {strides = array<i32>} : memref<2048xf32, #tpu.memory_space<vmem>>, vector<16xf32>,
      %get3A_123 = vector.shape_cast %get3A_122 : vector<16xf32> to vector<16xf32>
      %mul3A_124 = arith.mulf %get3A_117, %get3A_117 : vector<16xf32>
      %mul3A_125 = arith.mulf %get3A_120, %get3A_120 : vector<16xf32>
      %add3A_126 = arith.addf %mul3A_124, %mul3A_125 : vector<16xf32>
      %mul3A_127 = arith.mulf %get3A_123, %get3A_123 : vector<16xf32>
      %add3A_128 = arith.addf %add3A_126, %mul3A_127 : vector<16xf32>
      %swap3A_129 = arith.index_cast %mul3A_115 : i32 to index
      %swap3A_130 = tpu.vector_load %arg15[%swap3A_129] {strides = array<i32>} : memref<2048xf32, #tpu.memory_space<vmem>>, vector<16xf32>,
      %swap3A_131 = vector.shape_cast %swap3A_130 : vector<16xf32> to vector<16xf32>
      %swap3A_132 = vector.shape_cast %add3A_128 : vector<16xf32> to vector<16xf32>
      tpu.vector_store %arg15[%swap3A_129], %swap3A_132 {strides = array<i32>} : memref<2048xf32, #tpu.memory_space<vmem>>, vector<16xf32>,
      %mul3A_133 = arith.constant 6.553700e+04 : f32
      %mul3A_134 = vector.broadcast %mul3A_133 : f32 to vector<16xf32>
      %mul3A_135 = arith.mulf %get3A_117, %mul3A_134 : vector<16xf32>
      %sub3A_136 = arith.subf %mul3A_135, %get3A_117 : vector<16xf32>
      %sub3A_137 = arith.subf %mul3A_135, %sub3A_136 : vector<16xf32>
      %swap3A_138 = arith.index_cast %mul3A_115 : i32 to index
      %swap3A_139 = tpu.vector_load %arg12[%swap3A_138] {strides = array<i32>} : memref<2048xf32, #tpu.memory_space<vmem>>, vector<16xf32>,
      %swap3A_140 = vector.shape_cast %swap3A_139 : vector<16xf32> to vector<16xf32>
      %swap3A_141 = vector.shape_cast %sub3A_137 : vector<16xf32> to vector<16xf32>
      tpu.vector_store %arg12[%swap3A_138], %swap3A_141 {strides = array<i32>} : memref<2048xf32, #tpu.memory_space<vmem>>, vector<16xf32>,
      %mul3A_142 = arith.constant 6.553700e+04 : f32
      %mul3A_143 = vector.broadcast %mul3A_142 : f32 to vector<16xf32>
      %mul3A_144 = arith.mulf %get3A_120, %mul3A_143 : vector<16xf32>
      %sub3A_145 = arith.subf %mul3A_144, %get3A_120 : vector<16xf32>
      %sub3A_146 = arith.subf %mul3A_144, %sub3A_145 : vector<16xf32>
      %swap3A_147 = arith.index_cast %mul3A_115 : i32 to index
      %swap3A_148 = tpu.vector_load %arg13[%swap3A_147] {strides = array<i32>} : memref<2048xf32, #tpu.memory_space<vmem>>, vector<16xf32>,
      %swap3A_149 = vector.shape_cast %swap3A_148 : vector<16xf32> to vector<16xf32>
      %swap3A_150 = vector.shape_cast %sub3A_146 : vector<16xf32> to vector<16xf32>
      tpu.vector_store %arg13[%swap3A_147], %swap3A_150 {strides = array<i32>} : memref<2048xf32, #tpu.memory_space<vmem>>, vector<16xf32>,
      %mul3A_151 = arith.constant 6.553700e+04 : f32
      %mul3A_152 = vector.broadcast %mul3A_151 : f32 to vector<16xf32>
      %mul3A_153 = arith.mulf %get3A_123, %mul3A_152 : vector<16xf32>
      %sub3A_154 = arith.subf %mul3A_153, %get3A_123 : vector<16xf32>
      %sub3A_155 = arith.subf %mul3A_153, %sub3A_154 : vector<16xf32>
      %swap3A_156 = arith.index_cast %mul3A_115 : i32 to index
      %swap3A_157 = tpu.vector_load %arg14[%swap3A_156] {strides = array<i32>} : memref<2048xf32, #tpu.memory_space<vmem>>, vector<16xf32>,
      %swap3A_158 = vector.shape_cast %swap3A_157 : vector<16xf32> to vector<16xf32>
      %swap3A_159 = vector.shape_cast %sub3A_155 : vector<16xf32> to vector<16xf32>
      tpu.vector_store %arg14[%swap3A_156], %swap3A_159 {strides = array<i32>} : memref<2048xf32, #tpu.memory_space<vmem>>, vector<16xf32>,
      %scan3A_160 = arith.constant 0 : i32
      scf.yield %scan3A_160 : i32
    }
    %scan3A_91 = arith.constant 128 : i32
    %scan3A_92 = arith.constant 0 : i32
    %scan3A_93 = arith.constant 0 : i32
    %scan3A_94 = arith.constant 64 : i32
    %scan3A_95 = arith.addi %scan3A_93, %scan3A_94 : i32
    %scan3A_96 = arith.constant 1 : i32
    %scan3A_97 = scf.for %scan3A_112 = %scan3A_93 to %scan3A_95 step %scan3A_96 iter_args(%scan3A_113 = %scan3A_92) -> (i32)  : i32 {
      %mul3A_114 = arith.constant 16 : i32
      %mul3A_115 = arith.muli %scan3A_112, %mul3A_114 : i32
      %get3A = arith.index_cast %mul3A_115 : i32 to index
      %get3A_116 = tpu.vector_load %arg6[%get3A] {strides = array<i32>} : memref<1040xf32, #tpu.memory_space<vmem>>, vector<16xf32>,
      %get3A_117 = vector.shape_cast %get3A_116 : vector<16xf32> to vector<16xf32>
      %mul3A_118 = arith.constant 6.553700e+04 : f32
      %mul3A_119 = vector.broadcast %mul3A_118 : f32 to vector<16xf32>
      %mul3A_120 = arith.mulf %get3A_117, %mul3A_119 : vector<16xf32>
      %sub3A_121 = arith.subf %mul3A_120, %get3A_117 : vector<16xf32>
      %sub3A_122 = arith.subf %mul3A_120, %sub3A_121 : vector<16xf32>
      %swap3A_123 = arith.index_cast %mul3A_115 : i32 to index
      %swap3A_124 = tpu.vector_load %arg9[%swap3A_123] {strides = array<i32>} : memref<1040xf32, #tpu.memory_space<vmem>>, vector<16xf32>,
      %swap3A_125 = vector.shape_cast %swap3A_124 : vector<16xf32> to vector<16xf32>
      %swap3A_126 = vector.shape_cast %sub3A_122 : vector<16xf32> to vector<16xf32>
      tpu.vector_store %arg9[%swap3A_123], %swap3A_126 {strides = array<i32>} : memref<1040xf32, #tpu.memory_space<vmem>>, vector<16xf32>,
      %get3A_127 = arith.index_cast %mul3A_115 : i32 to index
      %get3A_128 = tpu.vector_load %arg7[%get3A_127] {strides = array<i32>} : memref<1040xf32, #tpu.memory_space<vmem>>, vector<16xf32>,
      %get3A_129 = vector.shape_cast %get3A_128 : vector<16xf32> to vector<16xf32>
      %mul3A_130 = arith.constant 6.553700e+04 : f32
      %mul3A_131 = vector.broadcast %mul3A_130 : f32 to vector<16xf32>
      %mul3A_132 = arith.mulf %get3A_129, %mul3A_131 : vector<16xf32>
      %sub3A_133 = arith.subf %mul3A_132, %get3A_129 : vector<16xf32>
      %sub3A_134 = arith.subf %mul3A_132, %sub3A_133 : vector<16xf32>
      %swap3A_135 = arith.index_cast %mul3A_115 : i32 to index
      %swap3A_136 = tpu.vector_load %arg10[%swap3A_135] {strides = array<i32>} : memref<1040xf32, #tpu.memory_space<vmem>>, vector<16xf32>,
      %swap3A_137 = vector.shape_cast %swap3A_136 : vector<16xf32> to vector<16xf32>
      %swap3A_138 = vector.shape_cast %sub3A_134 : vector<16xf32> to vector<16xf32>
      tpu.vector_store %arg10[%swap3A_135], %swap3A_138 {strides = array<i32>} : memref<1040xf32, #tpu.memory_space<vmem>>, vector<16xf32>,
      %get3A_139 = arith.index_cast %mul3A_115 : i32 to index
      %get3A_140 = tpu.vector_load %arg8[%get3A_139] {strides = array<i32>} : memref<1040xf32, #tpu.memory_space<vmem>>, vector<16xf32>,
      %get3A_141 = vector.shape_cast %get3A_140 : vector<16xf32> to vector<16xf32>
      %mul3A_142 = arith.constant 6.553700e+04 : f32
      %mul3A_143 = vector.broadcast %mul3A_142 : f32 to vector<16xf32>
      %mul3A_144 = arith.mulf %get3A_141, %mul3A_143 : vector<16xf32>
      %sub3A_145 = arith.subf %mul3A_144, %get3A_141 : vector<16xf32>
      %sub3A_146 = arith.subf %mul3A_144, %sub3A_145 : vector<16xf32>
      %swap3A_147 = arith.index_cast %mul3A_115 : i32 to index
      %swap3A_148 = tpu.vector_load %arg11[%swap3A_147] {strides = array<i32>} : memref<1040xf32, #tpu.memory_space<vmem>>, vector<16xf32>,
      %swap3A_149 = vector.shape_cast %swap3A_148 : vector<16xf32> to vector<16xf32>
      %swap3A_150 = vector.shape_cast %sub3A_146 : vector<16xf32> to vector<16xf32>
      tpu.vector_store %arg11[%swap3A_147], %swap3A_150 {strides = array<i32>} : memref<1040xf32, #tpu.memory_space<vmem>>, vector<16xf32>,
      %scan3A_151 = arith.constant 0 : i32
      scf.yield %scan3A_151 : i32
    }
    %scan3A_98 = arith.constant 64 : i32
    %iota3A = tpu.iota {dimensions = array<i32: 0>} : vector<16xi32>
    %scan3A_99 = arith.constant 1.000000e+30 : f32
    %scan3A_100 = arith.constant 0.000000e+00 : f32
    %scan3A_101 = arith.constant 0 : i32
    %scan3A_102 = arith.constant 256 : i32
    %scan3A_103 = arith.addi %scan3A_101, %scan3A_102 : i32
    %scan3A_104 = arith.constant 1 : i32
    %scan3A_105 = scf.for %scan3A_112 = %scan3A_101 to %scan3A_103 step %scan3A_104 iter_args(%scan3A_113 = %scan3A_100) -> (f32)  : i32 {
      %mul3A_114 = arith.constant 4 : i32
      %mul3A_115 = arith.muli %scan3A_112, %mul3A_114 : i32
      %get3A = arith.index_cast %mul3A_115 : i32 to index
      %get3A_116 = tpu.vector_load %arg6[%get3A] {strides = array<i32>} : memref<1040xf32, #tpu.memory_space<vmem>>, vector<16xf32>,
      %get3A_117 = vector.shape_cast %get3A_116 : vector<16xf32> to vector<16xf32>
      %get3A_118 = arith.index_cast %mul3A_115 : i32 to index
      %get3A_119 = tpu.vector_load %arg7[%get3A_118] {strides = array<i32>} : memref<1040xf32, #tpu.memory_space<vmem>>, vector<16xf32>,
      %get3A_120 = vector.shape_cast %get3A_119 : vector<16xf32> to vector<16xf32>
      %get3A_121 = arith.index_cast %mul3A_115 : i32 to index
      %get3A_122 = tpu.vector_load %arg8[%get3A_121] {strides = array<i32>} : memref<1040xf32, #tpu.memory_space<vmem>>, vector<16xf32>,
      %get3A_123 = vector.shape_cast %get3A_122 : vector<16xf32> to vector<16xf32>
      %get3A_124 = arith.index_cast %mul3A_115 : i32 to index
      %get3A_125 = tpu.vector_load %arg9[%get3A_124] {strides = array<i32>} : memref<1040xf32, #tpu.memory_space<vmem>>, vector<16xf32>,
      %get3A_126 = vector.shape_cast %get3A_125 : vector<16xf32> to vector<16xf32>
      %get3A_127 = arith.index_cast %mul3A_115 : i32 to index
      %get3A_128 = tpu.vector_load %arg10[%get3A_127] {strides = array<i32>} : memref<1040xf32, #tpu.memory_space<vmem>>, vector<16xf32>,
      %get3A_129 = vector.shape_cast %get3A_128 : vector<16xf32> to vector<16xf32>
      %get3A_130 = arith.index_cast %mul3A_115 : i32 to index
      %get3A_131 = tpu.vector_load %arg11[%get3A_130] {strides = array<i32>} : memref<1040xf32, #tpu.memory_space<vmem>>, vector<16xf32>,
      %get3A_132 = vector.shape_cast %get3A_131 : vector<16xf32> to vector<16xf32>
      %slice3A = vector.extract_strided_slice %get3A_117 {offsets = [0], sizes = [1], strides = [1]} : vector<16xf32> to vector<1xf32>
      %squeeze3A = vector.extract %slice3A[0] : f32 from vector<1xf32>
      %slice3A_133 = vector.extract_strided_slice %get3A_120 {offsets = [0], sizes = [1], strides = [1]} : vector<16xf32> to vector<1xf32>
      %squeeze3A_134 = vector.extract %slice3A_133[0] : f32 from vector<1xf32>
      %slice3A_135 = vector.extract_strided_slice %get3A_123 {offsets = [0], sizes = [1], strides = [1]} : vector<16xf32> to vector<1xf32>
      %squeeze3A_136 = vector.extract %slice3A_135[0] : f32 from vector<1xf32>
      %mul3A_137 = arith.mulf %squeeze3A, %squeeze3A : f32
      %mul3A_138 = arith.mulf %squeeze3A_134, %squeeze3A_134 : f32
      %add3A_139 = arith.addf %mul3A_137, %mul3A_138 : f32
      %mul3A_140 = arith.mulf %squeeze3A_136, %squeeze3A_136 : f32
      %add3A_141 = arith.addf %add3A_139, %mul3A_140 : f32
      %slice3A_142 = vector.extract_strided_slice %get3A_126 {offsets = [0], sizes = [1], strides = [1]} : vector<16xf32> to vector<1xf32>
      %squeeze3A_143 = vector.extract %slice3A_142[0] : f32 from vector<1xf32>
      %mul3A_144 = arith.constant -2.000000e+00 : f32
      %mul3A_145 = arith.mulf %mul3A_144, %squeeze3A_143 : f32
      %slice3A_146 = vector.extract_strided_slice %get3A_129 {offsets = [0], sizes = [1], strides = [1]} : vector<16xf32> to vector<1xf32>
      %squeeze3A_147 = vector.extract %slice3A_146[0] : f32 from vector<1xf32>
      %mul3A_148 = arith.constant -2.000000e+00 : f32
      %mul3A_149 = arith.mulf %mul3A_148, %squeeze3A_147 : f32
      %slice3A_150 = vector.extract_strided_slice %get3A_132 {offsets = [0], sizes = [1], strides = [1]} : vector<16xf32> to vector<1xf32>
      %squeeze3A_151 = vector.extract %slice3A_150[0] : f32 from vector<1xf32>
      %mul3A_152 = arith.constant -2.000000e+00 : f32
      %mul3A_153 = arith.mulf %mul3A_152, %squeeze3A_151 : f32
      %slice3A_154 = vector.extract_strided_slice %get3A_117 {offsets = [1], sizes = [1], strides = [1]} : vector<16xf32> to vector<1xf32>
      %squeeze3A_155 = vector.extract %slice3A_154[0] : f32 from vector<1xf32>
      %slice3A_156 = vector.extract_strided_slice %get3A_120 {offsets = [1], sizes = [1], strides = [1]} : vector<16xf32> to vector<1xf32>
      %squeeze3A_157 = vector.extract %slice3A_156[0] : f32 from vector<1xf32>
      %slice3A_158 = vector.extract_strided_slice %get3A_123 {offsets = [1], sizes = [1], strides = [1]} : vector<16xf32> to vector<1xf32>
      %squeeze3A_159 = vector.extract %slice3A_158[0] : f32 from vector<1xf32>
      %mul3A_160 = arith.mulf %squeeze3A_155, %squeeze3A_155 : f32
      %mul3A_161 = arith.mulf %squeeze3A_157, %squeeze3A_157 : f32
      %add3A_162 = arith.addf %mul3A_160, %mul3A_161 : f32
      %mul3A_163 = arith.mulf %squeeze3A_159, %squeeze3A_159 : f32
      %add3A_164 = arith.addf %add3A_162, %mul3A_163 : f32
      %slice3A_165 = vector.extract_strided_slice %get3A_126 {offsets = [1], sizes = [1], strides = [1]} : vector<16xf32> to vector<1xf32>
      %squeeze3A_166 = vector.extract %slice3A_165[0] : f32 from vector<1xf32>
      %mul3A_167 = arith.constant -2.000000e+00 : f32
      %mul3A_168 = arith.mulf %mul3A_167, %squeeze3A_166 : f32
      %slice3A_169 = vector.extract_strided_slice %get3A_129 {offsets = [1], sizes = [1], strides = [1]} : vector<16xf32> to vector<1xf32>
      %squeeze3A_170 = vector.extract %slice3A_169[0] : f32 from vector<1xf32>
      %mul3A_171 = arith.constant -2.000000e+00 : f32
      %mul3A_172 = arith.mulf %mul3A_171, %squeeze3A_170 : f32
      %slice3A_173 = vector.extract_strided_slice %get3A_132 {offsets = [1], sizes = [1], strides = [1]} : vector<16xf32> to vector<1xf32>
      %squeeze3A_174 = vector.extract %slice3A_173[0] : f32 from vector<1xf32>
      %mul3A_175 = arith.constant -2.000000e+00 : f32
      %mul3A_176 = arith.mulf %mul3A_175, %squeeze3A_174 : f32
      %slice3A_177 = vector.extract_strided_slice %get3A_117 {offsets = [2], sizes = [1], strides = [1]} : vector<16xf32> to vector<1xf32>
      %squeeze3A_178 = vector.extract %slice3A_177[0] : f32 from vector<1xf32>
      %slice3A_179 = vector.extract_strided_slice %get3A_120 {offsets = [2], sizes = [1], strides = [1]} : vector<16xf32> to vector<1xf32>
      %squeeze3A_180 = vector.extract %slice3A_179[0] : f32 from vector<1xf32>
      %slice3A_181 = vector.extract_strided_slice %get3A_123 {offsets = [2], sizes = [1], strides = [1]} : vector<16xf32> to vector<1xf32>
      %squeeze3A_182 = vector.extract %slice3A_181[0] : f32 from vector<1xf32>
      %mul3A_183 = arith.mulf %squeeze3A_178, %squeeze3A_178 : f32
      %mul3A_184 = arith.mulf %squeeze3A_180, %squeeze3A_180 : f32
      %add3A_185 = arith.addf %mul3A_183, %mul3A_184 : f32
      %mul3A_186 = arith.mulf %squeeze3A_182, %squeeze3A_182 : f32
      %add3A_187 = arith.addf %add3A_185, %mul3A_186 : f32
      %slice3A_188 = vector.extract_strided_slice %get3A_126 {offsets = [2], sizes = [1], strides = [1]} : vector<16xf32> to vector<1xf32>
      %squeeze3A_189 = vector.extract %slice3A_188[0] : f32 from vector<1xf32>
      %mul3A_190 = arith.constant -2.000000e+00 : f32
      %mul3A_191 = arith.mulf %mul3A_190, %squeeze3A_189 : f32
      %slice3A_192 = vector.extract_strided_slice %get3A_129 {offsets = [2], sizes = [1], strides = [1]} : vector<16xf32> to vector<1xf32>
      %squeeze3A_193 = vector.extract %slice3A_192[0] : f32 from vector<1xf32>
      %mul3A_194 = arith.constant -2.000000e+00 : f32
      %mul3A_195 = arith.mulf %mul3A_194, %squeeze3A_193 : f32
      %slice3A_196 = vector.extract_strided_slice %get3A_132 {offsets = [2], sizes = [1], strides = [1]} : vector<16xf32> to vector<1xf32>
      %squeeze3A_197 = vector.extract %slice3A_196[0] : f32 from vector<1xf32>
      %mul3A_198 = arith.constant -2.000000e+00 : f32
      %mul3A_199 = arith.mulf %mul3A_198, %squeeze3A_197 : f32
      %slice3A_200 = vector.extract_strided_slice %get3A_117 {offsets = [3], sizes = [1], strides = [1]} : vector<16xf32> to vector<1xf32>
      %squeeze3A_201 = vector.extract %slice3A_200[0] : f32 from vector<1xf32>
      %slice3A_202 = vector.extract_strided_slice %get3A_120 {offsets = [3], sizes = [1], strides = [1]} : vector<16xf32> to vector<1xf32>
      %squeeze3A_203 = vector.extract %slice3A_202[0] : f32 from vector<1xf32>
      %slice3A_204 = vector.extract_strided_slice %get3A_123 {offsets = [3], sizes = [1], strides = [1]} : vector<16xf32> to vector<1xf32>
      %squeeze3A_205 = vector.extract %slice3A_204[0] : f32 from vector<1xf32>
      %mul3A_206 = arith.mulf %squeeze3A_201, %squeeze3A_201 : f32
      %mul3A_207 = arith.mulf %squeeze3A_203, %squeeze3A_203 : f32
      %add3A_208 = arith.addf %mul3A_206, %mul3A_207 : f32
      %mul3A_209 = arith.mulf %squeeze3A_205, %squeeze3A_205 : f32
      %add3A_210 = arith.addf %add3A_208, %mul3A_209 : f32
      %slice3A_211 = vector.extract_strided_slice %get3A_126 {offsets = [3], sizes = [1], strides = [1]} : vector<16xf32> to vector<1xf32>
      %squeeze3A_212 = vector.extract %slice3A_211[0] : f32 from vector<1xf32>
      %mul3A_213 = arith.constant -2.000000e+00 : f32
      %mul3A_214 = arith.mulf %mul3A_213, %squeeze3A_212 : f32
      %slice3A_215 = vector.extract_strided_slice %get3A_129 {offsets = [3], sizes = [1], strides = [1]} : vector<16xf32> to vector<1xf32>
      %squeeze3A_216 = vector.extract %slice3A_215[0] : f32 from vector<1xf32>
      %mul3A_217 = arith.constant -2.000000e+00 : f32
      %mul3A_218 = arith.mulf %mul3A_217, %squeeze3A_216 : f32
      %slice3A_219 = vector.extract_strided_slice %get3A_132 {offsets = [3], sizes = [1], strides = [1]} : vector<16xf32> to vector<1xf32>
      %squeeze3A_220 = vector.extract %slice3A_219[0] : f32 from vector<1xf32>
      %mul3A_221 = arith.constant -2.000000e+00 : f32
      %mul3A_222 = arith.mulf %mul3A_221, %squeeze3A_220 : f32
      %broadcast_in_dim3A_223 = vector.broadcast %scan3A_99 : f32 to vector<16xf32>
      %broadcast_in_dim3A_224 = vector.broadcast %scan3A_99 : f32 to vector<16xf32>
      %broadcast_in_dim3A_225 = vector.broadcast %scan3A_99 : f32 to vector<16xf32>
      %broadcast_in_dim3A_226 = vector.broadcast %scan3A_99 : f32 to vector<16xf32>
      %scan3A_227 = arith.constant 0 : i32
      %scan3A_228 = arith.constant 128 : i32
      %scan3A_229 = arith.addi %scan3A_227, %scan3A_228 : i32
      %scan3A_230 = arith.constant 1 : i32
      %scan3A_231:4 = scf.for %scan3A_473 = %scan3A_227 to %scan3A_229 step %scan3A_230 iter_args(%scan3A_474 = %broadcast_in_dim3A_223, %scan3A_475 = %broadcast_in_dim3A_224, %scan3A_476 = %broadcast_in_dim3A_225, %scan3A_477 = %broadcast_in_dim3A_226) -> (vector<16xf32>, vector<16xf32>, vector<16xf32>, vector<16xf32>)  : i32 {
        %mul3A_478 = arith.constant 16 : i32
        %mul3A_479 = arith.muli %scan3A_473, %mul3A_478 : i32
        %get3A_480 = arith.index_cast %mul3A_479 : i32 to index
        %get3A_481 = tpu.vector_load %arg15[%get3A_480] {strides = array<i32>} : memref<2048xf32, #tpu.memory_space<vmem>>, vector<16xf32>,
        %get3A_482 = vector.shape_cast %get3A_481 : vector<16xf32> to vector<16xf32>
        %get3A_483 = arith.index_cast %mul3A_479 : i32 to index
        %get3A_484 = tpu.vector_load %arg12[%get3A_483] {strides = array<i32>} : memref<2048xf32, #tpu.memory_space<vmem>>, vector<16xf32>,
        %get3A_485 = vector.shape_cast %get3A_484 : vector<16xf32> to vector<16xf32>
        %get3A_486 = arith.index_cast %mul3A_479 : i32 to index
        %get3A_487 = tpu.vector_load %arg13[%get3A_486] {strides = array<i32>} : memref<2048xf32, #tpu.memory_space<vmem>>, vector<16xf32>,
        %get3A_488 = vector.shape_cast %get3A_487 : vector<16xf32> to vector<16xf32>
        %get3A_489 = arith.index_cast %mul3A_479 : i32 to index
        %get3A_490 = tpu.vector_load %arg14[%get3A_489] {strides = array<i32>} : memref<2048xf32, #tpu.memory_space<vmem>>, vector<16xf32>,
        %get3A_491 = vector.shape_cast %get3A_490 : vector<16xf32> to vector<16xf32>
        %add3A_492 = vector.broadcast %add3A_141 : f32 to vector<16xf32>
        %add3A_493 = arith.addf %get3A_482, %add3A_492 : vector<16xf32>
        %mul3A_494 = vector.broadcast %mul3A_145 : f32 to vector<16xf32>
        %mul3A_495 = arith.mulf %get3A_485, %mul3A_494 : vector<16xf32>
        %add3A_496 = arith.addf %add3A_493, %mul3A_495 : vector<16xf32>
        %mul3A_497 = vector.broadcast %mul3A_149 : f32 to vector<16xf32>
        %mul3A_498 = arith.mulf %get3A_488, %mul3A_497 : vector<16xf32>
        %add3A_499 = arith.addf %add3A_496, %mul3A_498 : vector<16xf32>
        %mul3A_500 = vector.broadcast %mul3A_153 : f32 to vector<16xf32>
        %mul3A_501 = arith.mulf %get3A_491, %mul3A_500 : vector<16xf32>
        %add3A_502 = arith.addf %add3A_499, %mul3A_501 : vector<16xf32>
        %min3A_503 = arith.minimumf %scan3A_474, %add3A_502 : vector<16xf32>
        %add3A_504 = vector.broadcast %add3A_164 : f32 to vector<16xf32>
        %add3A_505 = arith.addf %get3A_482, %add3A_504 : vector<16xf32>
        %mul3A_506 = vector.broadcast %mul3A_168 : f32 to vector<16xf32>
        %mul3A_507 = arith.mulf %get3A_485, %mul3A_506 : vector<16xf32>
        %add3A_508 = arith.addf %add3A_505, %mul3A_507 : vector<16xf32>
        %mul3A_509 = vector.broadcast %mul3A_172 : f32 to vector<16xf32>
        %mul3A_510 = arith.mulf %get3A_488, %mul3A_509 : vector<16xf32>
        %add3A_511 = arith.addf %add3A_508, %mul3A_510 : vector<16xf32>
        %mul3A_512 = vector.broadcast %mul3A_176 : f32 to vector<16xf32>
        %mul3A_513 = arith.mulf %get3A_491, %mul3A_512 : vector<16xf32>
        %add3A_514 = arith.addf %add3A_511, %mul3A_513 : vector<16xf32>
        %min3A_515 = arith.minimumf %scan3A_475, %add3A_514 : vector<16xf32>
        %add3A_516 = vector.broadcast %add3A_187 : f32 to vector<16xf32>
        %add3A_517 = arith.addf %get3A_482, %add3A_516 : vector<16xf32>
        %mul3A_518 = vector.broadcast %mul3A_191 : f32 to vector<16xf32>
        %mul3A_519 = arith.mulf %get3A_485, %mul3A_518 : vector<16xf32>
        %add3A_520 = arith.addf %add3A_517, %mul3A_519 : vector<16xf32>
        %mul3A_521 = vector.broadcast %mul3A_195 : f32 to vector<16xf32>
        %mul3A_522 = arith.mulf %get3A_488, %mul3A_521 : vector<16xf32>
        %add3A_523 = arith.addf %add3A_520, %mul3A_522 : vector<16xf32>
        %mul3A_524 = vector.broadcast %mul3A_199 : f32 to vector<16xf32>
        %mul3A_525 = arith.mulf %get3A_491, %mul3A_524 : vector<16xf32>
        %add3A_526 = arith.addf %add3A_523, %mul3A_525 : vector<16xf32>
        %min3A_527 = arith.minimumf %scan3A_476, %add3A_526 : vector<16xf32>
        %add3A_528 = vector.broadcast %add3A_210 : f32 to vector<16xf32>
        %add3A_529 = arith.addf %get3A_482, %add3A_528 : vector<16xf32>
        %mul3A_530 = vector.broadcast %mul3A_214 : f32 to vector<16xf32>
        %mul3A_531 = arith.mulf %get3A_485, %mul3A_530 : vector<16xf32>
        %add3A_532 = arith.addf %add3A_529, %mul3A_531 : vector<16xf32>
        %mul3A_533 = vector.broadcast %mul3A_218 : f32 to vector<16xf32>
        %mul3A_534 = arith.mulf %get3A_488, %mul3A_533 : vector<16xf32>
        %add3A_535 = arith.addf %add3A_532, %mul3A_534 : vector<16xf32>
        %mul3A_536 = vector.broadcast %mul3A_222 : f32 to vector<16xf32>
        %mul3A_537 = arith.mulf %get3A_491, %mul3A_536 : vector<16xf32>
        %add3A_538 = arith.addf %add3A_535, %mul3A_537 : vector<16xf32>
        %min3A_539 = arith.minimumf %scan3A_477, %add3A_538 : vector<16xf32>
        scf.yield %min3A_503, %min3A_515, %min3A_527, %min3A_539 : vector<16xf32>, vector<16xf32>, vector<16xf32>, vector<16xf32>
      }
      %scan3A_232 = arith.constant 128 : i32
      %xor3A = arith.constant 8 : i32
      %xor3A_233 = vector.broadcast %xor3A : i32 to vector<16xi32>
      %xor3A_234 = arith.xori %iota3A, %xor3A_233 : vector<16xi32>
      %lt3A_235 = arith.constant 0 : i32
      %lt3A_236 = vector.broadcast %lt3A_235 : i32 to vector<16xi32>
      %lt3A_237 = arith.cmpi slt, %xor3A_234, %lt3A_236 : vector<16xi32>
      %add3A_238 = arith.constant 16 : i32
      %add3A_239 = vector.broadcast %add3A_238 : i32 to vector<16xi32>
      %add3A_240 = arith.addi %xor3A_234, %add3A_239 : vector<16xi32>
      %select_n3A_241 = arith.select %lt3A_237, %add3A_240, %xor3A_234 : vector<16xi1>, vector<16xi32>
      %broadcast_in_dim3A_242 = vector.shape_cast %select_n3A_241 : vector<16xi32> to vector<16x1xi32>
      %gather3A = vector.shape_cast %broadcast_in_dim3A_242 : vector<16x1xi32> to vector<16xi32>
      %gather3A_243 = tpu.dynamic_gather %scan3A_231#0[%gather3A] in [0] : vector<16xf32>, vector<16xi32> -> vector<16xf32>
      %min3A = arith.minimumf %scan3A_231#0, %gather3A_243 : vector<16xf32>
      %xor3A_244 = arith.constant 4 : i32
      %xor3A_245 = vector.broadcast %xor3A_244 : i32 to vector<16xi32>
      %xor3A_246 = arith.xori %iota3A, %xor3A_245 : vector<16xi32>
      %lt3A_247 = arith.constant 0 : i32
      %lt3A_248 = vector.broadcast %lt3A_247 : i32 to vector<16xi32>
      %lt3A_249 = arith.cmpi slt, %xor3A_246, %lt3A_248 : vector<16xi32>
      %add3A_250 = arith.constant 16 : i32
      %add3A_251 = vector.broadcast %add3A_250 : i32 to vector<16xi32>
      %add3A_252 = arith.addi %xor3A_246, %add3A_251 : vector<16xi32>
      %select_n3A_253 = arith.select %lt3A_249, %add3A_252, %xor3A_246 : vector<16xi1>, vector<16xi32>
      %broadcast_in_dim3A_254 = vector.shape_cast %select_n3A_253 : vector<16xi32> to vector<16x1xi32>
      %gather3A_255 = vector.shape_cast %broadcast_in_dim3A_254 : vector<16x1xi32> to vector<16xi32>
      %gather3A_256 = tpu.dynamic_gather %min3A[%gather3A_255] in [0] : vector<16xf32>, vector<16xi32> -> vector<16xf32>
      %min3A_257 = arith.minimumf %min3A, %gather3A_256 : vector<16xf32>
      %xor3A_258 = arith.constant 2 : i32
      %xor3A_259 = vector.broadcast %xor3A_258 : i32 to vector<16xi32>
      %xor3A_260 = arith.xori %iota3A, %xor3A_259 : vector<16xi32>
      %lt3A_261 = arith.constant 0 : i32
      %lt3A_262 = vector.broadcast %lt3A_261 : i32 to vector<16xi32>
      %lt3A_263 = arith.cmpi slt, %xor3A_260, %lt3A_262 : vector<16xi32>
      %add3A_264 = arith.constant 16 : i32
      %add3A_265 = vector.broadcast %add3A_264 : i32 to vector<16xi32>
      %add3A_266 = arith.addi %xor3A_260, %add3A_265 : vector<16xi32>
      %select_n3A_267 = arith.select %lt3A_263, %add3A_266, %xor3A_260 : vector<16xi1>, vector<16xi32>
      %broadcast_in_dim3A_268 = vector.shape_cast %select_n3A_267 : vector<16xi32> to vector<16x1xi32>
      %gather3A_269 = vector.shape_cast %broadcast_in_dim3A_268 : vector<16x1xi32> to vector<16xi32>
      %gather3A_270 = tpu.dynamic_gather %min3A_257[%gather3A_269] in [0] : vector<16xf32>, vector<16xi32> -> vector<16xf32>
      %min3A_271 = arith.minimumf %min3A_257, %gather3A_270 : vector<16xf32>
      %xor3A_272 = arith.constant 1 : i32
      %xor3A_273 = vector.broadcast %xor3A_272 : i32 to vector<16xi32>
      %xor3A_274 = arith.xori %iota3A, %xor3A_273 : vector<16xi32>
      %lt3A_275 = arith.constant 0 : i32
      %lt3A_276 = vector.broadcast %lt3A_275 : i32 to vector<16xi32>
      %lt3A_277 = arith.cmpi slt, %xor3A_274, %lt3A_276 : vector<16xi32>
      %add3A_278 = arith.constant 16 : i32
      %add3A_279 = vector.broadcast %add3A_278 : i32 to vector<16xi32>
      %add3A_280 = arith.addi %xor3A_274, %add3A_279 : vector<16xi32>
      %select_n3A_281 = arith.select %lt3A_277, %add3A_280, %xor3A_274 : vector<16xi1>, vector<16xi32>
      %broadcast_in_dim3A_282 = vector.shape_cast %select_n3A_281 : vector<16xi32> to vector<16x1xi32>
      %gather3A_283 = vector.shape_cast %broadcast_in_dim3A_282 : vector<16x1xi32> to vector<16xi32>
      %gather3A_284 = tpu.dynamic_gather %min3A_271[%gather3A_283] in [0] : vector<16xf32>, vector<16xi32> -> vector<16xf32>
      %min3A_285 = arith.minimumf %min3A_271, %gather3A_284 : vector<16xf32>
      %slice3A_286 = vector.extract_strided_slice %min3A_285 {offsets = [0], sizes = [1], strides = [1]} : vector<16xf32> to vector<1xf32>
      %squeeze3A_287 = vector.extract %slice3A_286[0] : f32 from vector<1xf32>
      %max3A = arith.constant 0.000000e+00 : f32
      %max3A_288 = arith.maximumf %squeeze3A_287, %max3A : f32
      %add3A_289 = arith.addf %scan3A_113, %max3A_288 : f32
      %xor3A_290 = arith.constant 8 : i32
      %xor3A_291 = vector.broadcast %xor3A_290 : i32 to vector<16xi32>
      %xor3A_292 = arith.xori %iota3A, %xor3A_291 : vector<16xi32>
      %lt3A_293 = arith.constant 0 : i32
      %lt3A_294 = vector.broadcast %lt3A_293 : i32 to vector<16xi32>
      %lt3A_295 = arith.cmpi slt, %xor3A_292, %lt3A_294 : vector<16xi32>
      %add3A_296 = arith.constant 16 : i32
      %add3A_297 = vector.broadcast %add3A_296 : i32 to vector<16xi32>
      %add3A_298 = arith.addi %xor3A_292, %add3A_297 : vector<16xi32>
      %select_n3A_299 = arith.select %lt3A_295, %add3A_298, %xor3A_292 : vector<16xi1>, vector<16xi32>
      %broadcast_in_dim3A_300 = vector.shape_cast %select_n3A_299 : vector<16xi32> to vector<16x1xi32>
      %gather3A_301 = vector.shape_cast %broadcast_in_dim3A_300 : vector<16x1xi32> to vector<16xi32>
      %gather3A_302 = tpu.dynamic_gather %scan3A_231#1[%gather3A_301] in [0] : vector<16xf32>, vector<16xi32> -> vector<16xf32>
      %min3A_303 = arith.minimumf %scan3A_231#1, %gather3A_302 : vector<16xf32>
      %xor3A_304 = arith.constant 4 : i32
      %xor3A_305 = vector.broadcast %xor3A_304 : i32 to vector<16xi32>
      %xor3A_306 = arith.xori %iota3A, %xor3A_305 : vector<16xi32>
      %lt3A_307 = arith.constant 0 : i32
      %lt3A_308 = vector.broadcast %lt3A_307 : i32 to vector<16xi32>
      %lt3A_309 = arith.cmpi slt, %xor3A_306, %lt3A_308 : vector<16xi32>
      %add3A_310 = arith.constant 16 : i32
      %add3A_311 = vector.broadcast %add3A_310 : i32 to vector<16xi32>
      %add3A_312 = arith.addi %xor3A_306, %add3A_311 : vector<16xi32>
      %select_n3A_313 = arith.select %lt3A_309, %add3A_312, %xor3A_306 : vector<16xi1>, vector<16xi32>
      %broadcast_in_dim3A_314 = vector.shape_cast %select_n3A_313 : vector<16xi32> to vector<16x1xi32>
      %gather3A_315 = vector.shape_cast %broadcast_in_dim3A_314 : vector<16x1xi32> to vector<16xi32>
      %gather3A_316 = tpu.dynamic_gather %min3A_303[%gather3A_315] in [0] : vector<16xf32>, vector<16xi32> -> vector<16xf32>
      %min3A_317 = arith.minimumf %min3A_303, %gather3A_316 : vector<16xf32>
      %xor3A_318 = arith.constant 2 : i32
      %xor3A_319 = vector.broadcast %xor3A_318 : i32 to vector<16xi32>
      %xor3A_320 = arith.xori %iota3A, %xor3A_319 : vector<16xi32>
      %lt3A_321 = arith.constant 0 : i32
      %lt3A_322 = vector.broadcast %lt3A_321 : i32 to vector<16xi32>
      %lt3A_323 = arith.cmpi slt, %xor3A_320, %lt3A_322 : vector<16xi32>
      %add3A_324 = arith.constant 16 : i32
      %add3A_325 = vector.broadcast %add3A_324 : i32 to vector<16xi32>
      %add3A_326 = arith.addi %xor3A_320, %add3A_325 : vector<16xi32>
      %select_n3A_327 = arith.select %lt3A_323, %add3A_326, %xor3A_320 : vector<16xi1>, vector<16xi32>
      %broadcast_in_dim3A_328 = vector.shape_cast %select_n3A_327 : vector<16xi32> to vector<16x1xi32>
      %gather3A_329 = vector.shape_cast %broadcast_in_dim3A_328 : vector<16x1xi32> to vector<16xi32>
      %gather3A_330 = tpu.dynamic_gather %min3A_317[%gather3A_329] in [0] : vector<16xf32>, vector<16xi32> -> vector<16xf32>
      %min3A_331 = arith.minimumf %min3A_317, %gather3A_330 : vector<16xf32>
      %xor3A_332 = arith.constant 1 : i32
      %xor3A_333 = vector.broadcast %xor3A_332 : i32 to vector<16xi32>
      %xor3A_334 = arith.xori %iota3A, %xor3A_333 : vector<16xi32>
      %lt3A_335 = arith.constant 0 : i32
      %lt3A_336 = vector.broadcast %lt3A_335 : i32 to vector<16xi32>
      %lt3A_337 = arith.cmpi slt, %xor3A_334, %lt3A_336 : vector<16xi32>
      %add3A_338 = arith.constant 16 : i32
      %add3A_339 = vector.broadcast %add3A_338 : i32 to vector<16xi32>
      %add3A_340 = arith.addi %xor3A_334, %add3A_339 : vector<16xi32>
      %select_n3A_341 = arith.select %lt3A_337, %add3A_340, %xor3A_334 : vector<16xi1>, vector<16xi32>
      %broadcast_in_dim3A_342 = vector.shape_cast %select_n3A_341 : vector<16xi32> to vector<16x1xi32>
      %gather3A_343 = vector.shape_cast %broadcast_in_dim3A_342 : vector<16x1xi32> to vector<16xi32>
      %gather3A_344 = tpu.dynamic_gather %min3A_331[%gather3A_343] in [0] : vector<16xf32>, vector<16xi32> -> vector<16xf32>
      %min3A_345 = arith.minimumf %min3A_331, %gather3A_344 : vector<16xf32>
      %slice3A_346 = vector.extract_strided_slice %min3A_345 {offsets = [0], sizes = [1], strides = [1]} : vector<16xf32> to vector<1xf32>
      %squeeze3A_347 = vector.extract %slice3A_346[0] : f32 from vector<1xf32>
      %max3A_348 = arith.constant 0.000000e+00 : f32
      %max3A_349 = arith.maximumf %squeeze3A_347, %max3A_348 : f32
      %add3A_350 = arith.addf %add3A_289, %max3A_349 : f32
      %xor3A_351 = arith.constant 8 : i32
      %xor3A_352 = vector.broadcast %xor3A_351 : i32 to vector<16xi32>
      %xor3A_353 = arith.xori %iota3A, %xor3A_352 : vector<16xi32>
      %lt3A_354 = arith.constant 0 : i32
      %lt3A_355 = vector.broadcast %lt3A_354 : i32 to vector<16xi32>
      %lt3A_356 = arith.cmpi slt, %xor3A_353, %lt3A_355 : vector<16xi32>
      %add3A_357 = arith.constant 16 : i32
      %add3A_358 = vector.broadcast %add3A_357 : i32 to vector<16xi32>
      %add3A_359 = arith.addi %xor3A_353, %add3A_358 : vector<16xi32>
      %select_n3A_360 = arith.select %lt3A_356, %add3A_359, %xor3A_353 : vector<16xi1>, vector<16xi32>
      %broadcast_in_dim3A_361 = vector.shape_cast %select_n3A_360 : vector<16xi32> to vector<16x1xi32>
      %gather3A_362 = vector.shape_cast %broadcast_in_dim3A_361 : vector<16x1xi32> to vector<16xi32>
      %gather3A_363 = tpu.dynamic_gather %scan3A_231#2[%gather3A_362] in [0] : vector<16xf32>, vector<16xi32> -> vector<16xf32>
      %min3A_364 = arith.minimumf %scan3A_231#2, %gather3A_363 : vector<16xf32>
      %xor3A_365 = arith.constant 4 : i32
      %xor3A_366 = vector.broadcast %xor3A_365 : i32 to vector<16xi32>
      %xor3A_367 = arith.xori %iota3A, %xor3A_366 : vector<16xi32>
      %lt3A_368 = arith.constant 0 : i32
      %lt3A_369 = vector.broadcast %lt3A_368 : i32 to vector<16xi32>
      %lt3A_370 = arith.cmpi slt, %xor3A_367, %lt3A_369 : vector<16xi32>
      %add3A_371 = arith.constant 16 : i32
      %add3A_372 = vector.broadcast %add3A_371 : i32 to vector<16xi32>
      %add3A_373 = arith.addi %xor3A_367, %add3A_372 : vector<16xi32>
      %select_n3A_374 = arith.select %lt3A_370, %add3A_373, %xor3A_367 : vector<16xi1>, vector<16xi32>
      %broadcast_in_dim3A_375 = vector.shape_cast %select_n3A_374 : vector<16xi32> to vector<16x1xi32>
      %gather3A_376 = vector.shape_cast %broadcast_in_dim3A_375 : vector<16x1xi32> to vector<16xi32>
      %gather3A_377 = tpu.dynamic_gather %min3A_364[%gather3A_376] in [0] : vector<16xf32>, vector<16xi32> -> vector<16xf32>
      %min3A_378 = arith.minimumf %min3A_364, %gather3A_377 : vector<16xf32>
      %xor3A_379 = arith.constant 2 : i32
      %xor3A_380 = vector.broadcast %xor3A_379 : i32 to vector<16xi32>
      %xor3A_381 = arith.xori %iota3A, %xor3A_380 : vector<16xi32>
      %lt3A_382 = arith.constant 0 : i32
      %lt3A_383 = vector.broadcast %lt3A_382 : i32 to vector<16xi32>
      %lt3A_384 = arith.cmpi slt, %xor3A_381, %lt3A_383 : vector<16xi32>
      %add3A_385 = arith.constant 16 : i32
      %add3A_386 = vector.broadcast %add3A_385 : i32 to vector<16xi32>
      %add3A_387 = arith.addi %xor3A_381, %add3A_386 : vector<16xi32>
      %select_n3A_388 = arith.select %lt3A_384, %add3A_387, %xor3A_381 : vector<16xi1>, vector<16xi32>
      %broadcast_in_dim3A_389 = vector.shape_cast %select_n3A_388 : vector<16xi32> to vector<16x1xi32>
      %gather3A_390 = vector.shape_cast %broadcast_in_dim3A_389 : vector<16x1xi32> to vector<16xi32>
      %gather3A_391 = tpu.dynamic_gather %min3A_378[%gather3A_390] in [0] : vector<16xf32>, vector<16xi32> -> vector<16xf32>
      %min3A_392 = arith.minimumf %min3A_378, %gather3A_391 : vector<16xf32>
      %xor3A_393 = arith.constant 1 : i32
      %xor3A_394 = vector.broadcast %xor3A_393 : i32 to vector<16xi32>
      %xor3A_395 = arith.xori %iota3A, %xor3A_394 : vector<16xi32>
      %lt3A_396 = arith.constant 0 : i32
      %lt3A_397 = vector.broadcast %lt3A_396 : i32 to vector<16xi32>
      %lt3A_398 = arith.cmpi slt, %xor3A_395, %lt3A_397 : vector<16xi32>
      %add3A_399 = arith.constant 16 : i32
      %add3A_400 = vector.broadcast %add3A_399 : i32 to vector<16xi32>
      %add3A_401 = arith.addi %xor3A_395, %add3A_400 : vector<16xi32>
      %select_n3A_402 = arith.select %lt3A_398, %add3A_401, %xor3A_395 : vector<16xi1>, vector<16xi32>
      %broadcast_in_dim3A_403 = vector.shape_cast %select_n3A_402 : vector<16xi32> to vector<16x1xi32>
      %gather3A_404 = vector.shape_cast %broadcast_in_dim3A_403 : vector<16x1xi32> to vector<16xi32>
      %gather3A_405 = tpu.dynamic_gather %min3A_392[%gather3A_404] in [0] : vector<16xf32>, vector<16xi32> -> vector<16xf32>
      %min3A_406 = arith.minimumf %min3A_392, %gather3A_405 : vector<16xf32>
      %slice3A_407 = vector.extract_strided_slice %min3A_406 {offsets = [0], sizes = [1], strides = [1]} : vector<16xf32> to vector<1xf32>
      %squeeze3A_408 = vector.extract %slice3A_407[0] : f32 from vector<1xf32>
      %max3A_409 = arith.constant 0.000000e+00 : f32
      %max3A_410 = arith.maximumf %squeeze3A_408, %max3A_409 : f32
      %add3A_411 = arith.addf %add3A_350, %max3A_410 : f32
      %xor3A_412 = arith.constant 8 : i32
      %xor3A_413 = vector.broadcast %xor3A_412 : i32 to vector<16xi32>
      %xor3A_414 = arith.xori %iota3A, %xor3A_413 : vector<16xi32>
      %lt3A_415 = arith.constant 0 : i32
      %lt3A_416 = vector.broadcast %lt3A_415 : i32 to vector<16xi32>
      %lt3A_417 = arith.cmpi slt, %xor3A_414, %lt3A_416 : vector<16xi32>
      %add3A_418 = arith.constant 16 : i32
      %add3A_419 = vector.broadcast %add3A_418 : i32 to vector<16xi32>
      %add3A_420 = arith.addi %xor3A_414, %add3A_419 : vector<16xi32>
      %select_n3A_421 = arith.select %lt3A_417, %add3A_420, %xor3A_414 : vector<16xi1>, vector<16xi32>
      %broadcast_in_dim3A_422 = vector.shape_cast %select_n3A_421 : vector<16xi32> to vector<16x1xi32>
      %gather3A_423 = vector.shape_cast %broadcast_in_dim3A_422 : vector<16x1xi32> to vector<16xi32>
      %gather3A_424 = tpu.dynamic_gather %scan3A_231#3[%gather3A_423] in [0] : vector<16xf32>, vector<16xi32> -> vector<16xf32>
      %min3A_425 = arith.minimumf %scan3A_231#3, %gather3A_424 : vector<16xf32>
      %xor3A_426 = arith.constant 4 : i32
      %xor3A_427 = vector.broadcast %xor3A_426 : i32 to vector<16xi32>
      %xor3A_428 = arith.xori %iota3A, %xor3A_427 : vector<16xi32>
      %lt3A_429 = arith.constant 0 : i32
      %lt3A_430 = vector.broadcast %lt3A_429 : i32 to vector<16xi32>
      %lt3A_431 = arith.cmpi slt, %xor3A_428, %lt3A_430 : vector<16xi32>
      %add3A_432 = arith.constant 16 : i32
      %add3A_433 = vector.broadcast %add3A_432 : i32 to vector<16xi32>
      %add3A_434 = arith.addi %xor3A_428, %add3A_433 : vector<16xi32>
      %select_n3A_435 = arith.select %lt3A_431, %add3A_434, %xor3A_428 : vector<16xi1>, vector<16xi32>
      %broadcast_in_dim3A_436 = vector.shape_cast %select_n3A_435 : vector<16xi32> to vector<16x1xi32>
      %gather3A_437 = vector.shape_cast %broadcast_in_dim3A_436 : vector<16x1xi32> to vector<16xi32>
      %gather3A_438 = tpu.dynamic_gather %min3A_425[%gather3A_437] in [0] : vector<16xf32>, vector<16xi32> -> vector<16xf32>
      %min3A_439 = arith.minimumf %min3A_425, %gather3A_438 : vector<16xf32>
      %xor3A_440 = arith.constant 2 : i32
      %xor3A_441 = vector.broadcast %xor3A_440 : i32 to vector<16xi32>
      %xor3A_442 = arith.xori %iota3A, %xor3A_441 : vector<16xi32>
      %lt3A_443 = arith.constant 0 : i32
      %lt3A_444 = vector.broadcast %lt3A_443 : i32 to vector<16xi32>
      %lt3A_445 = arith.cmpi slt, %xor3A_442, %lt3A_444 : vector<16xi32>
      %add3A_446 = arith.constant 16 : i32
      %add3A_447 = vector.broadcast %add3A_446 : i32 to vector<16xi32>
      %add3A_448 = arith.addi %xor3A_442, %add3A_447 : vector<16xi32>
      %select_n3A_449 = arith.select %lt3A_445, %add3A_448, %xor3A_442 : vector<16xi1>, vector<16xi32>
      %broadcast_in_dim3A_450 = vector.shape_cast %select_n3A_449 : vector<16xi32> to vector<16x1xi32>
      %gather3A_451 = vector.shape_cast %broadcast_in_dim3A_450 : vector<16x1xi32> to vector<16xi32>
      %gather3A_452 = tpu.dynamic_gather %min3A_439[%gather3A_451] in [0] : vector<16xf32>, vector<16xi32> -> vector<16xf32>
      %min3A_453 = arith.minimumf %min3A_439, %gather3A_452 : vector<16xf32>
      %xor3A_454 = arith.constant 1 : i32
      %xor3A_455 = vector.broadcast %xor3A_454 : i32 to vector<16xi32>
      %xor3A_456 = arith.xori %iota3A, %xor3A_455 : vector<16xi32>
      %lt3A_457 = arith.constant 0 : i32
      %lt3A_458 = vector.broadcast %lt3A_457 : i32 to vector<16xi32>
      %lt3A_459 = arith.cmpi slt, %xor3A_456, %lt3A_458 : vector<16xi32>
      %add3A_460 = arith.constant 16 : i32
      %add3A_461 = vector.broadcast %add3A_460 : i32 to vector<16xi32>
      %add3A_462 = arith.addi %xor3A_456, %add3A_461 : vector<16xi32>
      %select_n3A_463 = arith.select %lt3A_459, %add3A_462, %xor3A_456 : vector<16xi1>, vector<16xi32>
      %broadcast_in_dim3A_464 = vector.shape_cast %select_n3A_463 : vector<16xi32> to vector<16x1xi32>
      %gather3A_465 = vector.shape_cast %broadcast_in_dim3A_464 : vector<16x1xi32> to vector<16xi32>
      %gather3A_466 = tpu.dynamic_gather %min3A_453[%gather3A_465] in [0] : vector<16xf32>, vector<16xi32> -> vector<16xf32>
      %min3A_467 = arith.minimumf %min3A_453, %gather3A_466 : vector<16xf32>
      %slice3A_468 = vector.extract_strided_slice %min3A_467 {offsets = [0], sizes = [1], strides = [1]} : vector<16xf32> to vector<1xf32>
      %squeeze3A_469 = vector.extract %slice3A_468[0] : f32 from vector<1xf32>
      %max3A_470 = arith.constant 0.000000e+00 : f32
      %max3A_471 = arith.maximumf %squeeze3A_469, %max3A_470 : f32
      %add3A_472 = arith.addf %add3A_411, %max3A_471 : f32
      scf.yield %add3A_472 : f32
    }
    %scan3A_106 = arith.constant 256 : i32
    %mul3A_107 = arith.constant 6.250000e-02 : f32
    %mul3A_108 = arith.mulf %scan3A_105, %mul3A_107 : f32
    %broadcast_in_dim3A = vector.broadcast %mul3A_108 : f32 to vector<16xf32>
    %swap3A = arith.constant 0 : index
    %swap3A_109 = tpu.vector_load %arg16[%swap3A] {strides = array<i32>} : memref<16xf32, #tpu.memory_space<vmem>>, vector<16xf32>,
    %swap3A_110 = vector.shape_cast %swap3A_109 : vector<16xf32> to vector<16xf32>
    %swap3A_111 = vector.shape_cast %broadcast_in_dim3A : vector<16xf32> to vector<16xf32>
    tpu.vector_store %arg16[%swap3A], %swap3A_111 {strides = array<i32>} : memref<16xf32, #tpu.memory_space<vmem>>, vector<16xf32>,
    "tpu.region"() ({
      %run_scoped3A = tpu.sem_alloc : memref<!tpu.dma_semaphore, #tpu.memory_space<semaphore_mem>>
      %dma_start3A = arith.constant 0 : i32
      %dma_start3A_112 = tpu.memref_slice %arg5[%add3A, %dma_start3A] : memref<32x16xf32, #tpu.memory_space<hbm>> -> memref<1x16xf32, #tpu.memory_space<hbm>>
      %dma_start3A_113 = tpu.memref_squeeze %dma_start3A_112 : memref<1x16xf32, #tpu.memory_space<hbm>> -> memref<16xf32, #tpu.memory_space<hbm>>
      %dma_start3A_114 = arith.constant 0 : i32
      %dma_start3A_115 = tpu.memref_slice %arg5[%add3A, %dma_start3A_114] : memref<32x16xf32, #tpu.memory_space<hbm>> -> memref<1x16xf32, #tpu.memory_space<hbm>>
      %dma_start3A_116 = tpu.memref_squeeze %dma_start3A_115 : memref<1x16xf32, #tpu.memory_space<hbm>> -> memref<16xf32, #tpu.memory_space<hbm>>
      tpu.enqueue_dma source(%arg16 : memref<16xf32, #tpu.memory_space<vmem>>) target(%dma_start3A_116 : memref<16xf32, #tpu.memory_space<hbm>>) target_semaphore(%run_scoped3A : memref<!tpu.dma_semaphore, #tpu.memory_space<semaphore_mem>>)
      %dma_wait3A = arith.constant 0 : i32
      %dma_wait3A_117 = tpu.memref_slice %arg5[%add3A, %dma_wait3A] : memref<32x16xf32, #tpu.memory_space<hbm>> -> memref<1x16xf32, #tpu.memory_space<hbm>>
      %dma_wait3A_118 = tpu.memref_squeeze %dma_wait3A_117 : memref<1x16xf32, #tpu.memory_space<hbm>> -> memref<16xf32, #tpu.memory_space<hbm>>
      %dma_wait3A_119 = arith.constant 0 : i32
      %dma_wait3A_120 = tpu.memref_slice %arg5[%add3A, %dma_wait3A_119] : memref<32x16xf32, #tpu.memory_space<hbm>> -> memref<1x16xf32, #tpu.memory_space<hbm>>
      %dma_wait3A_121 = tpu.memref_squeeze %dma_wait3A_120 : memref<1x16xf32, #tpu.memory_space<hbm>> -> memref<16xf32, #tpu.memory_space<hbm>>
      tpu.wait_dma2 semaphore(%run_scoped3A : memref<!tpu.dma_semaphore, #tpu.memory_space<semaphore_mem>>) src(%arg16 : memref<16xf32, #tpu.memory_space<vmem>>) dst(%dma_wait3A_121 : memref<16xf32, #tpu.memory_space<hbm>>)
      tpu.yield
    }) : () -> ()
    return
  }
}

</mosaic_0001>

<sc_bundles>
// kernel: kernel.3.cloned.1.call-start
scs
__scs_entry_jumppad:
0x0: {  	(pc) =	sbr.rel $0x88, $3  }
0x1: {  	(tag) =	ssettag $0x0;
	lr =	simm.s32 $0x1  }
0x2: {  	[smem:$0x3F9F] =	sst lr;
	_ =	strace $0xD0000000  }
0x3: {  	_ = 	snop  }
0x4: {  	_ = 	snop  }
0x5: {  	_ = 	snop  }
0x6: {  	_ = 	snop  }
0x7: {  	_ = 	snop  }
__scs_overlays_trampoline_lowered:
0x8: {  	[smem:$0x3FAE] =	sst s0  }
0x9: {  	[smem:$0x3FAF] =	sst s1  }
0xa: {  	[smem:$0x3FB0] =	sst s2  }
0xb: {  	[smem:$0x3FB1] =	sst s3  }
0xc: {  	[smem:$0x3FB2] =	sst s4  }
0xd: {  	[smem:$0x3FB3] =	sst s5  }
0xe: {  	[smem:$0x3FB4] =	sst s6  }
0xf: {  	[smem:$0x3FB5] =	sst s7  }
0x10: {  	[smem:$0x3FB6] =	sst s8  }
0x11: {  	[smem:$0x3FB7] =	sst s9;
	s0 =	simm.s32 @!p0 $0x0  }
0x12: {  	s1 =	sld [smem:$0x3F9D];
	s0 =	simm.s32 @p0 $0x1  }
0x13: {  	[smem:$0x3FB8] =	sst s0;
	s0 =	simm.s32 @!p1 $0x0  }
0x14: {  	s2 =	sld [smem:$0x3F9C];
	s0 =	simm.s32 @p1 $0x1  }
0x15: {  	[smem:$0x3FB9] =	sst s0;
	s0 =	simm.s32 @!p2 $0x0  }
0x16: {  	s3 =	sld [smem:$0x3FDB];
	s0 =	simm.s32 @p2 $0x1  }
0x17: {  	s4 =	simm.s32 $0x1BF5;
	[smem:$0x3FBB] =	sst s0  }
0x18: {  	s0 =	sld [smem:$0x3F9E];
	_ =	swait.ge [sflag:s4], $0x0  }
0x19: {  	s7 =	sld [smem:$0x3F9F]  }
0x1a: {  	s8 =	sadd.s32 $0xFFFFE003, lr  }
0x1b: {  	s9 =	sadd.s32 $0xFFFFFEF7, lr;
	s5 =	simm.s32 $0xFFFFFFFF;
	p2 =	slt.u32 s8, $0xFFFFF086  }
0x1c: {  	p1 =	slt.u32 s9, $0xF7A;
	s5 =	simm.s32 @!p2 $0x0  }
0x1d: {  	s5 =	simm.s32 @p1 $0x1;
	p0 =	seq.s32 s7, s2  }
0x1e: {  	s7 =	smul.u32 @!p0 $0xF7A, s2;
	p2 =	seq.s32 @!p0 s5, $0x0  }
0x1f: {  	s9 =	smul.u32 $0xF7A, s1;
	s8 =	simm.s32 @!p0 $0x1BF5;
	p2 =	por !p2, p0  }
0x20: {  	[sflag:s8] =	ssyncset.s32 @!p0 $0xFFFFF086;
	s6 =	sadd.s32 @!p0 s3, s7;
	s7 =	simm.s32 @!p0 $0x108  }
0x21: {  	s3 =	sadd.s32 s3, s9;
	s6 =	sadd.s32 @!p0 $0x88, s6;
	s7 =	simm.s32 @p2 $0x1082  }
0x22: {  	[simem:s7], [sflag:s8] =	dma.local @!p0 [hbm:s6], $0xF7A  }
0x23: {  	s9 =	sor.u32 $0xD0000000, s2;
	s6 =	simm.s32 $0x108;
	_ =	swait.ge @!p0 [sflag:s8], $0x0  }
0x24: {  	s3 =	sadd.s32 $0x88, s3;
	s6 =	simm.s32 @!p1 $0x1082;
	[sflag:s4] =	ssyncset.s32 $0xFFFFF086  }
0x25: {  	[simem:s6], [sflag:s4] =	dma.local [hbm:s3], $0xF7A  }
0x26: {  	[smem:$0x3F9F] =	sst s1;
	(tag) =	ssettag s2;
	_ =	strace s9  }
0x27: {  	s1 =	sld [smem:$0x3FAF]  }
0x28: {  	s2 =	sld [smem:$0x3FB0]  }
0x29: {  	s4 =	sld [smem:$0x3FB2]  }
0x2a: {  	p0 =	seq.s32 s5, $0x0;
	s5 =	sld [smem:$0x3FB3]  }
0x2b: {  	s6 =	sld [smem:$0x3FB4]  }
0x2c: {  	s7 =	sld [smem:$0x3FB5]  }
0x2d: {  	s3 =	simm.s32 $0x108;
	s8 =	sld [smem:$0x3FB6]  }
0x2e: {  	s3 =	simm.s32 @!p0 $0x1082;
	s9 =	sld [smem:$0x3FB7]  }
0x2f: {  	lr =	sadd.s32 s0, s3;
	s0 =	sld [smem:$0x3FAE]  }
0x30: {  	s3 =	sld [smem:$0x3FB1]  }
0x31: {  	[smem:$0x3FBA] =	sst s10  }
0x32: {  	s10 =	sld [smem:$0x3FB8];
	_ =	sdelay $0x3  }
0x33: {  	p0 =	seq.s32 s10, $0x1;
	s10 =	sld [smem:$0x3FBA];
	_ =	sdelay $0x3  }
0x34: {  	[smem:$0x3FBA] =	sst s10  }
0x35: {  	s10 =	sld [smem:$0x3FB9];
	_ =	sdelay $0x3  }
0x36: {  	p1 =	seq.s32 s10, $0x1;
	s10 =	sld [smem:$0x3FBA];
	_ =	sdelay $0x3  }
0x37: {  	[smem:$0x3FBA] =	sst s10  }
0x38: {  	s10 =	sld [smem:$0x3FBB]  }
0x39: {  	_ = 	snop;
	(pc) =	sbr.ind lr, $3  }
0x3a: {  	_ = 	snop  }
0x3b: {  	_ = 	snop  }
0x3c: {  	p2 =	seq.s32 s10, $0x1;
	s10 =	sld [smem:$0x3FBA]  }
0x3d: {  	_ =	shalt  }
0x3e: {  	_ =	shalt  }
0x3f: {  	_ =	shalt  }
0x40: {  	_ =	shalt  }
0x41: {  	_ =	shalt  }
0x42: {  	_ =	shalt  }
0x43: {  	_ =	shalt  }
0x44: {  	_ =	shalt  }
0x45: {  	_ =	shalt  }
0x46: {  	_ =	shalt  }
0x47: {  	_ =	shalt  }
0x48: {  	_ =	shalt  }
0x49: {  	_ =	shalt  }
0x4a: {  	_ =	shalt  }
0x4b: {  	_ =	shalt  }
0x4c: {  	_ =	shalt  }
0x4d: {  	_ =	shalt  }
0x4e: {  	_ =	shalt  }
0x4f: {  	_ =	shalt  }
0x50: {  	_ =	shalt  }
0x51: {  	_ =	shalt  }
0x52: {  	_ =	shalt  }
0x53: {  	_ =	shalt  }
0x54: {  	_ =	shalt  }
0x55: {  	_ =	shalt  }
0x56: {  	_ =	shalt  }
0x57: {  	_ =	shalt  }
0x58: {  	_ =	shalt  }
0x59: {  	_ =	shalt  }
0x5a: {  	_ =	shalt  }
0x5b: {  	_ =	shalt  }
0x5c: {  	_ =	shalt  }
0x5d: {  	_ =	shalt  }
0x5e: {  	_ =	shalt  }
0x5f: {  	_ =	shalt  }
0x60: {  	_ =	shalt  }
0x61: {  	_ =	shalt  }
0x62: {  	_ =	shalt  }
0x63: {  	_ =	shalt  }
0x64: {  	_ =	shalt  }
0x65: {  	_ =	shalt  }
0x66: {  	_ =	shalt  }
0x67: {  	_ =	shalt  }
0x68: {  	_ =	shalt  }
0x69: {  	_ =	shalt  }
0x6a: {  	_ =	shalt  }
0x6b: {  	_ =	shalt  }
0x6c: {  	_ =	shalt  }
0x6d: {  	_ =	shalt  }
0x6e: {  	_ =	shalt  }
0x6f: {  	_ =	shalt  }
0x70: {  	_ =	shalt  }
0x71: {  	_ =	shalt  }
0x72: {  	_ =	shalt  }
0x73: {  	_ =	shalt  }
0x74: {  	_ =	shalt  }
0x75: {  	_ =	shalt  }
0x76: {  	_ =	shalt  }
0x77: {  	_ =	shalt  }
0x78: {  	_ =	shalt  }
0x79: {  	_ =	shalt  }
0x7a: {  	_ =	shalt  }
0x7b: {  	_ =	shalt  }
0x7c: {  	_ =	shalt  }
0x7d: {  	_ =	shalt  }
0x7e: {  	_ =	shalt  }
0x7f: {  	_ =	shalt  }
0x80: {  	_ =	shalt  }
0x81: {  	_ =	shalt  }
0x82: {  	_ =	shalt  }
0x83: {  	_ =	shalt  }
0x84: {  	_ =	shalt  }
0x85: {  	_ =	shalt  }
0x86: {  	_ =	shalt  }
0x87: {  	_ =	shalt  }
.Lfunc_end0:
.L_simem_size_0:
called_computation_lowered:
.L_overlay_start_0:
0x88: {  	s2 =	sld [smem:$0x3FD9]  }
0x89: {  	s3 =	sld [smem:$0x3FFE];
	_ =	sdelay $0x1  }
0x8a: {  	s1 =	srdreg.scid  }
0x8b: {  	s0 =	sand.u32 $0x1, s1  }
0x8c: {  	s16 =	sshll.u32 s0, $0xA;
	s2 =	sadd.s32 s3, s2  }
0x8d: {  	s2 =	sadd.s32 s2, s16  }
0x8e: {  	[smem:$0x3FC6] =	sst s2  }
0x8f: {  	_ = 	snop  }
0x90: {  	(tm) =	ssettm $0x1  }
0x91: {  	s17 =	sld [smem:$0x3FFB];
	_ =	sdelay $0x3  }
0x92: {  	_ =	strace s17  }
0x93: {  	s2 =	sld [smem:$0x3FFC];
	_ =	sdelay $0x3  }
0x94: {  	_ =	strace s2  }
0x95: {  	s2 =	sld [smem:$0x3FFD];
	_ =	sdelay $0x3  }
0x96: {  	_ =	strace s2  }
0x97: {  	_ =	strace $0x8FFFFFFF  }
0x98: {  	s18 =	sld [smem:$0x3FDB];
	_ =	sdelay $0x1  }
0x99: {  	s19 =	simm.s32 $_scs_section_size  }
0x9a: {  	s4 =	simm.s32 $_size__tile_overlayer_lowered;
	s5 =	simm.s32 $_tile_overlayer_lowered  }
0x9b: {  	s22 =	simm.s32 $0x1BFF;
	s21 =	sshll.u32 s5, $0x1;
	s2 =	sadd.s32 s19, s18  }
0x9c: {  	s6 =	simm.s32 $0x0;
	s20 =	sshll.u32 s4, $0x1;
	s4 =	sadd.s32 s21, s2  }
0x9d: {  	[timem:s6], [sflag:s22] =	dma.local [hbm:s4], s20  }
0x9e: {  	_ =	swait.ge [sflag:s22], s20  }
0x9f: {  	s3 =	ssub.s32 $0x0, s20;
	[sflag:s22] =	ssyncset.done $0x0  }
0xa0: {  	[sflag:s22] =	ssyncadd.s32 s3;
	_ =	sdelay $0x1  }
0xa1: {  	s23 =	simm.s32 $0x1B8B  }
0xa2: {  	_ =	swait.ge [sflag:s23], $0x1  }
0xa3: {  	[sflag:s23] =	ssyncset.done $0x0  }
0xa4: {  	s25 =	simm.s32 $0x1B8E;
	s24 =	sld [smem:$0x3FFE];
	[sflag:s23] =	ssyncadd.s32 $0xFFFFFFFF  }
0xa5: {  	s26 =	simm.s32 $execute0_lowered;
	[smem:$0x3FD2] =	sst s25  }
0xa6: {  	s4 =	sshll.u32 s26, $0x1;
	_ =	strace $0x80000046;
	[dreg:$0x1] =	wrdreg $0xFFFFFFFF  }
0xa7: {  	s28 =	simm.s32 $_size_execute0_lowered;
	s2 =	sadd.s32 s2, s4;
	[dreg:$0x0] =	wrdreg $0x0  }
0xa8: {  	s4 =	sshll.u32 s28, $0x1;
	[dreg:$0x2] =	wrdreg s2  }
0xa9: {  	[dreg:$0x3] =	wrdreg s4  }
0xaa: {  	[dreg:$0x4] =	wrdreg $0xC0  }
0xab: {  	_ =	task [dreg:s6], $0x5FFFF  }
0xac: {  	[dreg:$0x1] =	wrdreg $0xFFFFFFFF  }
0xad: {  	[dreg:$0x0] =	wrdreg $0x60  }
0xae: {  	[dreg:$0x2] =	wrdreg s24  }
0xaf: {  	[dreg:$0x3] =	wrdreg $0x9  }
0xb0: {  	_ =	task.clear_ibuf [dreg:s6], $0x4FFFF;
	_ =	strace $0x90000046  }
0xb1: {  	s29 =	simm.s32 $0x9;
	_ =	strace $0x80000048  }
0xb2: {  	_ =	swait.ge [sflag:s29], $0x1  }
0xb3: {  	[sflag:s29] =	ssyncadd.s32 $0xFFFFFFFF  }
0xb4: {  	_ =	strace $0x90000048  }
0xb5: {  	_ =	sfence  }
0xb6: {  	s30 =	sld [smem:$0x0];
	_ =	sdelay $0x2  }
0xb7: {  	s31 =	sshll.u32 s1, $0xD;
	s1 =	sshrl.u32 s1, $0x2  }
0xb8: {  	s3 =	sand.u32 $0x4000, s31;
	s1 =	sadd.s32 s1, s30  }
0xb9: {  	s0 =	sor.u32 s3, s0;
	s1 =	sshll.u32 s1, $0x11  }
0xba: {  	s0 =	sor.u32 s1, s0  }
0xbb: {  	s0 =	sadd.s32 $0x8F2B, s0  }
0xbc: {  	[sflag:s0] =	ssyncadd.remote.s32 $0x1  }
0xbd: {  	_ =	sfence.sel $0xFFFF  }
0xbe: {  	[dreg:$0x0] =	wrdreg $0xFFFFFFFF;
	(pc) =	sbr.abs _section_cstart, $3  }
0xbf: {  	[dreg:$0x1] =	wrdreg $0xFFFFFFFF  }
0xc0: {  	_ =	task.clear_ibuf [dreg:s6], $0x2FFFF;
	_ =	strace $0x9FFFFFFF  }
0xc1: {  	(tm) =	ssettm $0x7FFFFFFF  }
tec
execute0_lowered:
.L_overlay_start_1:
0x0: {  	(tag) =	ssettag $0x1  }
0x1: {  	s3 =	rddreg [dreg:$0x0];
	s2 =	simm.s32 $0x0;
	v0 =	vimm.s32 $0xFEDCBA98;
	v1 =	vimm.s32 $0x76543210  }
0x2: {  	s0 =	stileid.u32;
	s4 =	srdreg.scid;
	v2 =	vimm.s32 $0xBA98FEDC;
	v3 =	vimm.s32 $0x32107654;
	s16 =	simm.s32 $0x2B00  }
0x3: {  	v4 =	vimm.s32 $0xDCFE98BA;
	v5 =	vimm.s32 $0x54761032;
	s17 =	simm.s32 $0x3B00;
	s18 =	simm.s32 $0x0;
	s5 =	sshll.u32 s0, $0xA  }
0x4: {  	v6 =	vimm.s32 $0xEFCDAB89;
	v7 =	vimm.s32 $0x67452301;
	s6 =	sshll.u32 s0, $0xE;
	[smem:$0x7FF] =	sst s2;
	s4 =	sand.u32 $0x1, s4  }
0x5: {  	v0 =	vunpack.c.l.s4.s8 v0;
	s7 =	sadd.s32 $0x2400, s3;
	s8 =	sadd.s32 $0x1400, s3;
	v1 =	vunpack.c.l.s4.s8 v1;
	s9 =	sadd.s32 $0x400, s3;
	v2 =	vunpack.c.l.s4.s8 v2  }
0x6: {  	v3 =	vunpack.c.l.s4.s8 v3;
	v4 =	vunpack.c.l.s4.s8 v4;
	v5 =	vunpack.c.l.s4.s8 v5;
	s13 =	sshll.u32 s0, $0x5;
	s5 =	sor.u32 s5, s6;
	_ =	strace $0x80000047  }
0x7: {  	v6 =	vunpack.c.l.s4.s8 v6;
	v7 =	vunpack.c.l.s4.s8 v7;
	s30 =	sshll.u32 s4, $0xA;
	s10 =	ssub.s32 $0x2, s4;
	s5 =	sand.u32 $0x7800, s5;
	v0 =	vunpack.c.0.s8.s32 v0  }
0x8: {  	s4 =	sshll.u32 s4, $0x4;
	s11 =	sshrl.u32 s10, $0x1;
	v2 =	vunpack.c.0.s8.s32 v2;
	v3 =	vunpack.c.0.s8.s32 v3;
	v4 =	vunpack.c.0.s8.s32 v4;
	s6 =	sor.u32 s30, s5  }
0x9: {  	s12 =	sadd.s32 s4, s3;
	v5 =	vunpack.c.0.s8.s32 v5;
	v6 =	vunpack.c.0.s8.s32 v6;
	v7 =	vunpack.c.0.s8.s32 v7;
	s10 =	ssub.s32 s10, s11;
	s6 =	sshrl.u32 s6, $0x3  }
0xa: {  	v1 =	vunpack.c.0.s8.s32 v1;
	s31 =	sshrl.u32 s5, $0x3;
	s12 =	sadd.s32 s13, s12;
	v2 =	vcombine.low v3, v2;
	s6 =	sxor.u32 $0x800, s6  }
0xb: {  	s11 =	simm.s32 $0x1;
	v3 =	vcombine.low v5, v4;
	v4 =	vcombine.low v7, v6;
	s10 =	smax.u32 s10, $0x1;
	v0 =	vand.u32 $0xF, v0;
	s3 =	sadd.s32 s7, s6  }
0xc: {  	v0 =	vcombine.low v0, v1;
	s4 =	sadd.s32 s8, s6;
	s5 =	sadd.s32 s9, s6;
	s6 =	sadd.s32 s7, s31  }
0xd: {  	s7 =	sadd.s32 s8, s31;
	s8 =	sadd.s32 s9, s31;
	s9 =	sadd.s32 $0x3400, s12;
	v1 =	vand.u32 $0xF, v2;
	v2 =	vand.u32 $0xF, v3;
	v3 =	vand.u32 $0xF, v4  }
.LBB2_1:
0xe: {  	[tilespmem:s2], [sflag:$0x1] =	stream.linear.gather [hbm4b:s3+s2], $0x400, $0x38;
	[tilespmem:$0x3B80] =	vst v63  }
0xf: {  	_ =	swait.ge [sflag:s11], $0x400  }
0x10: {  	[sflag:s11] =	ssyncset.done $0x0  }
0x11: {  	s0 =	simm.s32 $0x480;
	[sflag:s11] =	ssyncadd.s32 $0xFFFFFC00  }
0x12: {  	[tilespmem:s0], [sflag:$0x1] =	stream.linear.gather [hbm4b:s4+s2], $0x400, $0x38;
	[tilespmem:$0x3B80] =	vst v63  }
0x13: {  	_ =	swait.ge [sflag:s11], $0x400  }
0x14: {  	[sflag:s11] =	ssyncset.done $0x0  }
0x15: {  	s29 =	simm.s32 $0x900;
	[sflag:s11] =	ssyncadd.s32 $0xFFFFFC00  }
0x16: {  	[tilespmem:s29], [sflag:$0x1] =	stream.linear.gather [hbm4b:s5+s2], $0x400, $0x38;
	[tilespmem:$0x3B80] =	vst v63  }
0x17: {  	_ =	swait.ge [sflag:s11], $0x400  }
0x18: {  	[sflag:s11] =	ssyncset.done $0x0  }
0x19: {  	s30 =	simm.s32 $0x1B00;
	[sflag:s11] =	ssyncadd.s32 $0xFFFFFC00  }
0x1a: {  	[tilespmem:s30], [sflag:$0x1] =	stream.linear.gather [hbm4b:s6+s2], $0x800, $0x38;
	[tilespmem:$0x3B80] =	vst v63  }
0x1b: {  	_ =	swait.ge [sflag:s11], $0x800  }
0x1c: {  	[sflag:s11] =	ssyncset.done $0x0  }
0x1d: {  	s31 =	simm.s32 $0x2300;
	[sflag:s11] =	ssyncadd.s32 $0xFFFFF800  }
0x1e: {  	[tilespmem:s31], [sflag:$0x1] =	stream.linear.gather [hbm4b:s7+s2], $0x800, $0x38;
	[tilespmem:$0x3B80] =	vst v63  }
0x1f: {  	_ =	swait.ge [sflag:s11], $0x800  }
0x20: {  	[sflag:s11] =	ssyncset.done $0x0  }
0x21: {  	[sflag:s11] =	ssyncadd.s32 $0xFFFFF800  }
0x22: {  	[tilespmem:s16], [sflag:$0x1] =	stream.linear.gather [hbm4b:s8+s2], $0x800, $0x38;
	[tilespmem:$0x3B80] =	vst v63  }
0x23: {  	_ =	swait.ge [sflag:s11], $0x800  }
0x24: {  	[sflag:s11] =	ssyncset.done $0x0  }
0x25: {  	s19 =	simm.s32 $0x0;
	[sflag:s11] =	ssyncadd.s32 $0xFFFFF800  }
0x26: {  	v4 =	vld [tilespmem:s19+$0x1B00];
	_ =	sdelay $0x1  }
0x27: {  	v5 =	vld [tilespmem:s19+$0x2300]  }
0x28: {  	v6 =	vld [tilespmem:s19+$0x2B00];
	_ =	sdelay $0x1  }
0x29: {  	v7 =	vmul.f32 $6.553700000e+04, v4;
	_ =	sdelay $0x1  }
0x2a: {  	v8 =	vmul.f32 $6.553700000e+04, v5;
	v9 =	vsub.f32 v7, v4  }
0x2b: {  	v10 =	vmul.f32 $6.553700000e+04, v6;
	v62 =	vmul.f32 v4, v4  }
0x2c: {  	v11 =	vsub.f32 v8, v5;
	v5 =	vmul.f32 v5, v5;
	v7 =	vsub.f32 v7, v9  }
0x2d: {  	v12 =	vsub.f32 v10, v6  }
0x2e: {  	v6 =	vmul.f32 v6, v6;
	v8 =	vsub.f32 v8, v11;
	[tilespmem:s19+$0x1B00] =	vst v7;
	v7 =	vadd.f32 v5, v62  }
0x2f: {  	s20 =	simm.s32 $0x10;
	v63 =	vsub.f32 v10, v12  }
0x30: {  	v4 =	vld [tilespmem:s20+$0x1B00];
	[tilespmem:s19+$0x2300] =	vst v8;
	v6 =	vadd.f32 v6, v7  }
0x31: {  	s21 =	simm.s32 $0x80;
	v5 =	vld [tilespmem:s20+$0x2300];
	[tilespmem:s19+$0x2B00] =	vst v63  }
.LBB2_2:
0x32: {  	p0 =	sne.s32 s21, $0x1FC0;
	v7 =	vld [tilespmem:s20+$0x2B00];
	[tilespmem:s19+$0x3300] =	vst v6;
	s19 =	smov.u32 s20;
	_ =	sdelay $0x2  }
0x33: {  	v6 =	vmul.f32 v4, v4;
	v8 =	vmul.f32 $6.553700000e+04, v4  }
0x34: {  	v9 =	vmul.f32 v5, v5;
	v10 =	vmul.f32 $6.553700000e+04, v5  }
0x35: {  	v11 =	vmul.f32 v7, v7;
	v4 =	vsub.f32 v8, v4;
	v12 =	vmul.f32 $6.553700000e+04, v7  }
0x36: {  	v6 =	vadd.f32 v9, v6;
	v5 =	vsub.f32 v10, v5  }
.Ltmp0:
0x37: {  	v4 =	vsub.f32 v8, v4;
	v7 =	vsub.f32 v12, v7;
	(pc) =	sbr.rel @p0 .LBB2_2-.Ltmp0, $4  }
0x38: {  	v6 =	vadd.f32 v11, v6;
	v5 =	vsub.f32 v10, v5  }
0x39: {  	s20 =	sshra.s32 s21, $0x2;
	[tilespmem:s19+$0x1B00] =	vst v4;
	v7 =	vsub.f32 v12, v7  }
0x3a: {  	v4 =	vld [tilespmem:s20+$0x1B00];
	[tilespmem:s19+$0x2300] =	vst v5  }
0x3b: {  	s21 =	sadd.s32 $0x40, s21;
	v5 =	vld [tilespmem:s20+$0x2300];
	[tilespmem:s19+$0x2B00] =	vst v7  }
0x3c: {  	v7 =	vld [tilespmem:s20+$0x2B00];
	_ =	sdelay $0x2  }
0x3d: {  	v8 =	vmul.f32 $6.553700000e+04, v4  }
0x3e: {  	v9 =	vmul.f32 $6.553700000e+04, v5  }
0x3f: {  	v10 =	vsub.f32 v8, v4;
	v11 =	vmul.f32 $6.553700000e+04, v7  }
0x40: {  	v12 =	vmul.f32 v5, v5;
	v4 =	vmul.f32 v4, v4;
	v5 =	vsub.f32 v9, v5  }
0x41: {  	v8 =	vsub.f32 v8, v10;
	v10 =	vsub.f32 v11, v7  }
0x42: {  	[tilespmem:s19+$0x3300] =	vst v6;
	v6 =	vmul.f32 v7, v7;
	v4 =	vadd.f32 v12, v4;
	v5 =	vsub.f32 v9, v5  }
0x43: {  	[tilespmem:s20+$0x1B00] =	vst v8;
	v7 =	vsub.f32 v11, v10  }
0x44: {  	p1 =	por $0x1, $0x1;
	v4 =	vadd.f32 v6, v4;
	[tilespmem:s20+$0x2300] =	vst v5  }
.Ltmp1:
0x45: {  	[tilespmem:s20+$0x2B00] =	vst v7;
	(pc) =	sbr.rel @!p1 .LBB2_4-.Ltmp1, $4  }
0x46: {  	[tilespmem:s20+$0x3300] =	vst v4;
	s20 =	simm.s32 $0x0  }
0x47: {  	v11 =	vld [tilespmem:s20+$0x900]  }
0x48: {  	v6 =	vld [tilespmem:s20+$0x0]  }
0x49: {  	s19 =	simm.s32 $0x0;
	p0 =	por $0x0, $0x0;
	v8 =	vld [tilespmem:s20+$0x480]  }
0x4a: {  	_ =	sdelay $0x2  }
0x4b: {  	s21 =	simm.s32 $0x10;
	p1 =	por $0x1, $0x1;
	v9 =	vmul.f32 $6.553700000e+04, v11;
	v12 =	vmul.f32 $6.553700000e+04, v6  }
.Ltmp2:
0x4c: {  	v5 =	vld [tilespmem:s21+$0x900];
	v4 =	vmul.f32 $6.553700000e+04, v8;
	(pc) =	sbr.rel @!p1 .LBB2_6-.Ltmp2, $4  }
0x4d: {  	v10 =	vsub.f32 v9, v11;
	v11 =	vsub.f32 v12, v6;
	v6 =	vld [tilespmem:s21+$0x0]  }
0x4e: {  	v7 =	vsub.f32 v4, v8;
	v8 =	vld [tilespmem:s21+$0x480]  }
0x4f: {  	v10 =	vsub.f32 v9, v10  }
0x50: {  	s22 =	simm.s32 $0x80;
	p0 =	por $0x1, $0x1;
	v9 =	vsub.f32 v12, v11  }
.LBB2_7:
0x51: {  	s23 =	sshra.s32 s22, $0x2;
	p1 =	sne.s32 s22, $0xFC0;
	s22 =	sadd.s32 $0x40, s22;
	v11 =	vmul.f32 $6.553700000e+04, v5;
	v13 =	vsub.f32 v4, v7;
	[tilespmem:s20+$0x1680] =	vst v10;
	v10 =	vmov v5  }
.Ltmp3:
0x52: {  	v5 =	vld [tilespmem:s23+$0x900];
	v12 =	vmul.f32 $6.553700000e+04, v6;
	[tilespmem:s20+$0xD80] =	vst v9;
	v9 =	vmov v6;
	(pc) =	sbr.rel @p1 .LBB2_7-.Ltmp3, $4  }
0x53: {  	v6 =	vld [tilespmem:s23+$0x0];
	v4 =	vmul.f32 $6.553700000e+04, v8;
	v10 =	vsub.f32 v11, v10;
	[tilespmem:s20+$0x1200] =	vst v13;
	v7 =	vmov v8;
	s20 =	smov.u32 s21;
	s21 =	smov.u32 s23  }
0x54: {  	v8 =	vld [tilespmem:s21+$0x480];
	v9 =	vsub.f32 v12, v9  }
0x55: {  	v7 =	vsub.f32 v4, v7;
	v10 =	vsub.f32 v11, v10  }
0x56: {  	v9 =	vsub.f32 v12, v9  }
0x57: {  	s22 =	smov.u32 s20;
	v11 =	vmov v5;
	s20 =	smov.u32 s21  }
.LBB2_9:
0x58: {  	v5 =	vmul.f32 $6.553700000e+04, v11  }
0x59: {  	v12 =	vmul.f32 $6.553700000e+04, v6  }
0x5a: {  	v13 =	vmul.f32 $6.553700000e+04, v8;
	v11 =	vsub.f32 v5, v11  }
0x5b: {  	v4 =	vsub.f32 @p0 v4, v7;
	[tilespmem:s22+$0x1680] =	vst @p0 v10;
	v6 =	vsub.f32 v12, v6  }
0x5c: {  	[tilespmem:s22+$0xD80] =	vst @p0 v9;
	v62 =	vsub.f32 v13, v8;
	v5 =	vsub.f32 v5, v11  }
0x5d: {  	[tilespmem:s22+$0x1200] =	vst @p0 v4;
	v4 =	vsub.f32 v12, v6  }
0x5e: {  	v63 =	vsub.f32 v13, v62;
	[tilespmem:s20+$0x1680] =	vst v5  }
0x5f: {  	[tilespmem:s20+$0xD80] =	vst v4  }
0x60: {  	[tilespmem:s20+$0x1200] =	vst v63;
	s20 =	simm.f32 $0.0e+00  }
.LBB2_10:
0x61: {  	s21 =	sshll.u32 s19, $0x2  }
0x62: {  	v4 =	vld [tilespmem:s21+$0x0]  }
0x63: {  	v5 =	vld [tilespmem:s21+$0x480]  }
0x64: {  	v6 =	vld [tilespmem:s21+$0x900]  }
0x65: {  	v7 =	vld [tilespmem:s21+$0xD80]  }
0x66: {  	v8 =	vld [tilespmem:s21+$0x1200]  }
0x67: {  	(v2sf) =	vpush v4, $0x0  }
0x68: {  	v9 =	vld [tilespmem:s21+$0x1680];
	(v2sf) =	vpush v5, $0x0  }
0x69: {  	(v2sf) =	vpush v6, $0x0  }
0x6a: {  	(v2sf) =	vpush v7, $0x0  }
0x6b: {  	(v2sf) =	vpush v8, $0x0;
	_ =	sdelay $0x1  }
0x6c: {  	(v2sf) =	vpush v9, $0x0  }
0x6d: {  	(v2sf) =	vpush v4, $0x1  }
0x6e: {  	(v2sf) =	vpush v5, $0x1  }
0x6f: {  	(v2sf) =	vpush v6, $0x1  }
0x70: {  	(v2sf) =	vpush v7, $0x1  }
0x71: {  	(v2sf) =	vpush v8, $0x1;
	_ =	sdelay $0x1  }
0x72: {  	(v2sf) =	vpush v9, $0x1  }
0x73: {  	(v2sf) =	vpush v4, $0x2  }
0x74: {  	(v2sf) =	vpush v5, $0x2;
	s15 =	spop (v2sf)  }
0x75: {  	(v2sf) =	vpush v6, $0x2;
	s22 =	spop (v2sf)  }
0x76: {  	(v2sf) =	vpush v7, $0x2;
	s21 =	smul.f32 s15, s15;
	s23 =	spop (v2sf)  }
0x77: {  	(v2sf) =	vpush v8, $0x2;
	s22 =	smul.f32 s22, s22;
	s24 =	spop (v2sf)  }
0x78: {  	(v2sf) =	vpush v9, $0x2;
	s23 =	smul.f32 s23, s23;
	s25 =	spop (v2sf)  }
0x79: {  	(v2sf) =	vpush v4, $0x3;
	s24 =	smul.f32 $-2.000000000e+00, s24;
	s21 =	sadd.f32 s22, s21  }
0x7a: {  	s26 =	spop (v2sf);
	s25 =	smul.f32 $-2.000000000e+00, s25  }
0x7b: {  	(v2sf) =	vpush v5, $0x3;
	s28 =	spop (v2sf);
	s26 =	smul.f32 $-2.000000000e+00, s26  }
0x7c: {  	(v2sf) =	vpush v6, $0x3;
	s21 =	sadd.f32 s23, s21;
	s29 =	spop (v2sf)  }
0x7d: {  	(v2sf) =	vpush v7, $0x3;
	s22 =	smul.f32 s28, s28;
	s30 =	spop (v2sf)  }
0x7e: {  	s28 =	smul.f32 s29, s29;
	s31 =	spop (v2sf)  }
0x7f: {  	(v2sf) =	vpush v8, $0x3;
	s30 =	smul.f32 s30, s30;
	s0 =	spop (v2sf)  }
0x80: {  	s23 =	smul.f32 $-2.000000000e+00, s31;
	s22 =	sadd.f32 s28, s22  }
0x81: {  	s1 =	spop (v2sf);
	s0 =	smul.f32 $-2.000000000e+00, s0  }
0x82: {  	s12 =	spop (v2sf);
	s1 =	smul.f32 $-2.000000000e+00, s1  }
0x83: {  	s22 =	sadd.f32 s30, s22;
	s13 =	spop (v2sf)  }
0x84: {  	s12 =	smul.f32 s12, s12;
	s14 =	spop (v2sf)  }
0x85: {  	s13 =	smul.f32 s13, s13;
	s29 =	spop (v2sf)  }
0x86: {  	(v2sf) =	vpush v9, $0x3;
	s14 =	smul.f32 s14, s14;
	s15 =	spop (v2sf)  }
0x87: {  	s12 =	sadd.f32 s13, s12;
	s31 =	spop (v2sf)  }
0x88: {  	s13 =	smul.f32 $-2.000000000e+00, s29;
	s28 =	spop (v2sf)  }
0x89: {  	s12 =	sadd.f32 s14, s12;
	s31 =	smul.f32 $-2.000000000e+00, s31  }
0x8a: {  	s30 =	spop (v2sf);
	s28 =	smul.f32 s28, s28  }
0x8b: {  	s29 =	spop (v2sf);
	s14 =	smul.f32 s30, s30;
	v8 =	vmov s31;
	s31 =	simm.s32 $0x10  }
0x8c: {  	s15 =	smul.f32 $-2.000000000e+00, s15;
	s30 =	spop (v2sf);
	v30 =	vld [tilespmem:s31+$0x1B00]  }
0x8d: {  	v10 =	vmov s24;
	v34 =	vld [tilespmem:s31+$0x2300];
	s14 =	sadd.f32 s14, s28;
	s28 =	smul.f32 s29, s29;
	s29 =	simm.s32 $0x0  }
0x8e: {  	v6 =	vmov s25;
	v4 =	vmov s26;
	v9 =	vmov s21;
	s21 =	spop (v2sf);
	s25 =	smul.f32 $-2.000000000e+00, s30;
	v20 =	vld [tilespmem:s29+$0x3300]  }
0x8f: {  	v15 =	vmov s23;
	v11 =	vmov s0;
	v14 =	vmov s22;
	v21 =	vld [tilespmem:s29+$0x1B00];
	s21 =	smul.f32 $-2.000000000e+00, s21  }
0x90: {  	v7 =	vmov s1;
	v17 =	vmov s13;
	v12 =	vmov s15;
	s14 =	sadd.f32 s28, s14  }
0x91: {  	v16 =	vmov s12;
	v22 =	vld [tilespmem:s29+$0x2300];
	v18 =	vmov s25;
	v13 =	vmov s21  }
0x92: {  	v19 =	vmov s14;
	v32 =	vmul.f32 v30, v18;
	v33 =	vmul.f32 v30, v15  }
0x93: {  	v63 =	vmul.f32 v34, v6;
	v24 =	vadd.f32 v20, v9;
	v25 =	vadd.f32 v20, v14  }
0x94: {  	v23 =	vld [tilespmem:s29+$0x2B00];
	v26 =	vmul.f32 v21, v10;
	v27 =	vadd.f32 v20, v19;
	v28 =	vmul.f32 v21, v18  }
0x95: {  	v29 =	vmul.f32 v21, v15;
	v20 =	vadd.f32 v20, v16;
	v21 =	vmul.f32 v21, v17;
	s28 =	spop (v2sf)  }
0x96: {  	v24 =	vadd.f32 v26, v24;
	v26 =	vadd.f32 v28, v27;
	v27 =	vmul.f32 v22, v13;
	s30 =	smul.f32 $-2.000000000e+00, s28  }
0x97: {  	v28 =	vmul.f32 v22, v6;
	v25 =	vadd.f32 v29, v25;
	v20 =	vadd.f32 v21, v20  }
0x98: {  	v21 =	vmul.f32 v22, v11;
	v29 =	vld [tilespmem:s31+$0x3300];
	v26 =	vadd.f32 v27, v26;
	v5 =	vmov s30  }
0x99: {  	v24 =	vadd.f32 v28, v24;
	v28 =	vmul.f32 v23, v4;
	v27 =	vmul.f32 v23, v5  }
0x9a: {  	v22 =	vmul.f32 v22, v12;
	v21 =	vadd.f32 v21, v25;
	v25 =	vmul.f32 v23, v7  }
0x9b: {  	v24 =	vadd.f32 v28, v24;
	v28 =	vmul.f32 v23, v8;
	v26 =	vadd.f32 v27, v26  }
0x9c: {  	v21 =	vadd.f32 v25, v21;
	v27 =	vadd.f32 v22, v20;
	v22 =	vimm.f32 $1.000000020e+30  }
0x9d: {  	v25 =	vld [tilespmem:s31+$0x2B00];
	v31 =	vadd.f32 v29, v19;
	v23 =	vmin.f32 v22, v24;
	v20 =	vmin.f32 v22, v26  }
0x9e: {  	v24 =	vadd.f32 v28, v27;
	v26 =	vadd.f32 v29, v9;
	v28 =	vmul.f32 v30, v10  }
0x9f: {  	v27 =	vadd.f32 v29, v14;
	v29 =	vadd.f32 v29, v16;
	v30 =	vmul.f32 v30, v17  }
0xa0: {  	v35 =	vadd.f32 v28, v26;
	v26 =	vadd.f32 v32, v31;
	v31 =	vmul.f32 v34, v13  }
0xa1: {  	v21 =	vmin.f32 v22, v21;
	v28 =	vadd.f32 v33, v27;
	v27 =	vadd.f32 v30, v29  }
0xa2: {  	s22 =	simm.s32 $0x20;
	v30 =	vmul.f32 v34, v11;
	v29 =	vadd.f32 v31, v26;
	v31 =	vmul.f32 v25, v5  }
0xa3: {  	s21 =	simm.s32 $0xC0;
	v33 =	vmul.f32 v25, v4;
	v34 =	vmul.f32 v34, v12;
	v26 =	vld [tilespmem:s22+$0x3300];
	v32 =	vadd.f32 v63, v35  }
.LBB2_11:
0xa4: {  	p0 =	sne.s32 s21, $0x1FC0;
	v35 =	vld [tilespmem:s22+$0x1B00];
	v28 =	vadd.f32 v30, v28;
	v30 =	vmul.f32 v25, v7;
	v29 =	vadd.f32 v31, v29  }
0xa5: {  	v25 =	vmul.f32 v25, v8;
	v31 =	vadd.f32 v33, v32;
	v27 =	vadd.f32 v34, v27  }
0xa6: {  	v22 =	vmin.f32 v22, v24;
	v34 =	vld [tilespmem:s22+$0x2300];
	v28 =	vadd.f32 v30, v28;
	v20 =	vmin.f32 v20, v29  }
0xa7: {  	v23 =	vmin.f32 v23, v31;
	v24 =	vadd.f32 v25, v27  }
0xa8: {  	v25 =	vld [tilespmem:s22+$0x2B00];
	v27 =	vadd.f32 v26, v9;
	v29 =	vadd.f32 v26, v14;
	v21 =	vmin.f32 v21, v28  }
0xa9: {  	v30 =	vadd.f32 v26, v19;
	v28 =	vmul.f32 v35, v10;
	v31 =	vmul.f32 v35, v18  }
.Ltmp4:
0xaa: {  	v26 =	vadd.f32 v26, v16;
	v32 =	vmul.f32 v35, v15;
	v33 =	vmul.f32 v35, v17;
	(pc) =	sbr.rel @p0 .LBB2_11-.Ltmp4, $4  }
0xab: {  	v35 =	vadd.f32 v28, v27;
	v31 =	vadd.f32 v31, v30;
	v36 =	vmul.f32 v34, v13  }
0xac: {  	v37 =	vmul.f32 v34, v6;
	v28 =	vadd.f32 v32, v29;
	v27 =	vadd.f32 v33, v26  }
0xad: {  	s22 =	sshra.s32 s21, $0x2;
	v30 =	vmul.f32 v34, v11;
	v29 =	vadd.f32 v36, v31;
	v31 =	vmul.f32 v25, v5  }
0xae: {  	s21 =	sadd.s32 $0x40, s21;
	v34 =	vmul.f32 v34, v12;
	v32 =	vadd.f32 v37, v35;
	v33 =	vmul.f32 v25, v4;
	v26 =	vld [tilespmem:s22+$0x3300]  }
0xaf: {  	v35 =	vld [tilespmem:s22+$0x1B00];
	_ =	sdelay $0x1  }
0xb0: {  	v28 =	vadd.f32 v30, v28;
	v63 =	vld [tilespmem:s22+$0x2300]  }
0xb1: {  	v62 =	vmul.f32 v25, v7;
	v29 =	vadd.f32 v31, v29;
	v36 =	vmul.f32 v25, v8  }
0xb2: {  	v22 =	vmin.f32 v22, v24;
	v37 =	vld [tilespmem:s22+$0x2B00];
	v32 =	vadd.f32 v33, v32;
	v27 =	vadd.f32 v34, v27  }
0xb3: {  	v28 =	vadd.f32 v62, v28;
	v9 =	vadd.f32 v26, v9;
	v10 =	vmul.f32 v35, v10  }
0xb4: {  	v23 =	vmin.f32 v23, v32;
	v25 =	vadd.f32 v36, v27;
	v14 =	vadd.f32 v26, v14  }
0xb5: {  	v15 =	vmul.f32 v35, v15;
	v6 =	vmul.f32 v63, v6;
	v9 =	vadd.f32 v10, v9  }
0xb6: {  	v19 =	vadd.f32 v26, v19;
	v38 =	vadd.f32 v26, v16;
	v11 =	vmul.f32 v63, v11  }
0xb7: {  	v4 =	vmul.f32 v37, v4;
	v14 =	vadd.f32 v15, v14;
	v6 =	vadd.f32 v6, v9  }
0xb8: {  	v45 =	vmin.f32 v21, v28;
	v39 =	vmul.f32 v35, v17;
	v40 =	vmul.f32 v35, v18  }
0xb9: {  	v41 =	vmul.f32 v37, v7;
	v11 =	vadd.f32 v11, v14;
	v4 =	vadd.f32 v4, v6  }
0xba: {  	v12 =	vmul.f32 v63, v12;
	v43 =	vmul.f32 v63, v13;
	v10 =	vadd.f32 v39, v38  }
0xbb: {  	v42 =	vadd.f32 v40, v19;
	v7 =	vadd.f32 v41, v11;
	v4 =	vmin.f32 v23, v4  }
0xbc: {  	v44 =	vmul.f32 v37, v8;
	v10 =	vadd.f32 v12, v10;
	v46 =	vperm.xlane v4, v0  }
0xbd: {  	v5 =	vmul.f32 v37, v5;
	v6 =	vadd.f32 v43, v42;
	v7 =	vmin.f32 v45, v7  }
0xbe: {  	v8 =	vadd.f32 v44, v10;
	v48 =	vperm.xlane v7, v0;
	v4 =	vmin.f32 v4, v46  }
0xbf: {  	v51 =	vmin.f32 v20, v29;
	v47 =	vmin.f32 v22, v25;
	v50 =	vperm.xlane v4, v1  }
0xc0: {  	v5 =	vadd.f32 v5, v6;
	v49 =	vmin.f32 v47, v8;
	v7 =	vmin.f32 v7, v48  }
0xc1: {  	v52 =	vperm.xlane v49, v0;
	v53 =	vperm.xlane v7, v1;
	v4 =	vmin.f32 v4, v50  }
0xc2: {  	v5 =	vmin.f32 v51, v5;
	v54 =	vperm.xlane v4, v2  }
0xc3: {  	v6 =	vmin.f32 v49, v52;
	v55 =	vperm.xlane v5, v0;
	v7 =	vmin.f32 v7, v53  }
0xc4: {  	v56 =	vperm.xlane v6, v1;
	v57 =	vperm.xlane v7, v2;
	v4 =	vmin.f32 v4, v54  }
0xc5: {  	v5 =	vmin.f32 v5, v55;
	v58 =	vperm.xlane v4, v3  }
0xc6: {  	v6 =	vmin.f32 v6, v56;
	v59 =	vperm.xlane v5, v1;
	v7 =	vmin.f32 v7, v57  }
0xc7: {  	v60 =	vperm.xlane v6, v2;
	v61 =	vperm.xlane v7, v3;
	v4 =	vmin.f32 v4, v58  }
0xc8: {  	v5 =	vmin.f32 v5, v59;
	(v2sf) =	vpush v4, $0x0  }
0xc9: {  	v62 =	vperm.xlane v5, v2;
	v7 =	vmin.f32 v7, v61;
	v4 =	vmin.f32 v6, v60  }
0xca: {  	v63 =	vperm.xlane v4, v3;
	(v2sf) =	vpush v7, $0x0  }
0xcb: {  	v5 =	vmin.f32 v5, v62  }
0xcc: {  	v6 =	vperm.xlane v5, v3;
	v4 =	vmin.f32 v4, v63  }
0xcd: {  	(v2sf) =	vpush v4, $0x0  }
0xce: {  	v4 =	vmin.f32 v5, v6  }
0xcf: {  	(v2sf) =	vpush v4, $0x0;
	_ =	sdelay $0x7  }
0xd0: {  	s0 =	spop (v2sf)  }
0xd1: {  	s0 =	smax.f32 s0, $0.0e+00  }
0xd2: {  	s1 =	spop (v2sf);
	s0 =	sadd.f32 s0, s20  }
0xd3: {  	s19 =	sadd.s32 $0x1, s19;
	s1 =	smax.f32 s1, $0.0e+00  }
0xd4: {  	p0 =	sne.s32 s19, $0x100;
	s0 =	sadd.f32 s1, s0  }
.Ltmp5:
0xd5: {  	s30 =	spop (v2sf);
	(pc) =	sbr.rel @p0 .LBB2_10-.Ltmp5, $4  }
0xd6: {  	s1 =	smax.f32 s30, $0.0e+00  }
0xd7: {  	s31 =	spop (v2sf);
	s0 =	sadd.f32 s1, s0  }
0xd8: {  	s1 =	smax.f32 s31, $0.0e+00  }
0xd9: {  	s20 =	sadd.f32 s1, s0  }
0xda: {  	_ = 	snop  }
0xdb: {  	s0 =	smul.f32 $6.250000000e-02, s20;
	_ =	sdelay $0x1  }
0xdc: {  	s18 =	sadd.s32 $0x1, s18;
	v4 =	vmov s0  }
0xdd: {  	p0 =	sne.s32 s18, s10;
	[tilespmem:$0x3B00] =	vst v4  }
0xde: {  	[hbm4b:s9+s2] =	stream.linear.scatter [tilespmem:s17], [sflag:$0x1], $0x80, $0x38;
	[tilespmem:$0x3B80] =	vst v63  }
.Ltmp6:
0xdf: {  	_ = 	snop;
	(pc) =	sbr.rel @p0 .LBB2_1-.Ltmp6, $4  }
.Ltmp7:
0xe0: {  	_ = 	snop;
	(pc) =	sbr.rel @!p0 .LBB2_14-.Ltmp7, $4  }
0xe1: {  	_ =	swait.ge [sflag:s11], $0x80  }
0xe2: {  	[sflag:s11] =	ssyncset.done $0x0  }
0xe3: {  	[sflag:s11] =	ssyncadd.s32 $0xFFFFFF80  }
0xe4: {  	_ = 	snop  }
.LBB2_4:
.Ltmp8:
0xe5: {  	(pc) =	sbr.rel .LBB2_9-.Ltmp8, $2  }
0xe6: {  	_ =	sdelay $0x2  }
0xe7: {  	_ = 	snop  }
.LBB2_6:
.Ltmp9:
0xe8: {  	(pc) =	sbr.rel .LBB2_9-.Ltmp9, $2  }
0xe9: {  	_ =	sdelay $0x2  }
0xea: {  	v11 =	vmov v5;
	s22 =	simm.s32 $0x0;
	s20 =	simm.s32 $0x10  }
.LBB2_14:
0xeb: {  	_ =	sfence.sel $0x180000  }
0xec: {  	[bflag:$0x0] =	sbarrier.arrive $0xFFFF  }
0xed: {  	_ =	strace $0x90000047  }
0xee: {  	s0 =	stileid.u32;
	[bflag:$0x2] =	sbarrier.arrive $0xFFFF  }
0xef: {  	p0 =	sne.s32 s0, $0x0;
	s0 =	rddreg [dreg:$0x1]  }
0xf0: {  	s0 =	sadd.s32 @!p0 $0x100000, s0  }
0xf1: {  	[sflag:s0] =	ssyncadd.tile.s32 @!p0 $0x1;
	_ =	shalt  }
.Lfunc_end2:
_tile_overlayer_lowered:
.L_overlay_start_2:
0xf2: {  	(tag) =	ssettag $0x2  }
0xf3: {  	s0 =	rddreg [dreg:$0x0];
	s2 =	stileid.u32  }
0xf4: {  	s1 =	rddreg [dreg:$0x1];
	p0 =	sne.s32 s2, $0x0  }
0xf5: {  	s3 =	rddreg [dreg:$0x2];
	[bflag:$0x3] =	sbarrier.arrive $0xFFFF;
	s2 =	simm.s32 @!p0 $0x1C01  }
0xf6: {  	[timem:s3], [sflag:s2] =	dma.local @!p0 [hbm:s0], s1  }
0xf7: {  	s0 =	simm.s32 @!p0 $0x1  }
0xf8: {  	_ =	swait.ge @!p0 [sflag:s0], s1  }
0xf9: {  	s1 =	ssub.s32 @!p0 $0x0, s1;
	[sflag:s0] =	ssyncset.done @!p0 $0x0  }
0xfa: {  	[sflag:s0] =	ssyncadd.s32 @!p0 s1  }
0xfb: {  	[bflag:$0x3] =	sbarrier.arrive $0xFFFF  }
0xfc: {  	_ =	shalt  }

</sc_bundles>
